<compile_context>
chip_gen: v7x
topology: tpu7x:2x2x1
jax: 0.10.2.dev20260603
libtpu: 0.0.44.dev20260713+nightly
codegen_flags: <defaults>
</compile_context>

<pallas_src>
import functools

import jax
import jax.numpy as jnp
from jax import lax
from jax.experimental import pallas as pl
from jax.experimental.pallas import tpu as pltpu
from jax.experimental.pallas import tpu_sc as plsc

N_NODES = 10000
N_EDGES = 320000
D = 128
EPS = 1e-5

NC = 2
NS = 16
NW = NC * NS
CHUNK = 128
CH_PER_TILE = 80
IDXB = 8
E_PAD = NW * CH_PER_TILE * CHUNK
NPAD = 10240
RPS = NPAD // NS
ZCH = RPS // CHUNK


def _sc_body(x_hbm, rowc_hbm, colc_hbm, iota_hbm, agg_hbm, deg_hbm,
             agg_sh, rowi_v, coli_v, idxz_v, rows_a, rows_b,
             gsem_a, gsem_b, dsem):
    cid = lax.axis_index("c")
    sid = lax.axis_index("s")
    wid = cid * NS + sid
    cb = wid * CH_PER_TILE
    ob = cid * NPAD + sid * RPS

    z16 = jnp.zeros((16,), jnp.float32)
    o16 = jnp.ones((16,), jnp.float32)

    def fill_rows(v16):
        def init_row(r, _):
            for l in range(D // 16):
                rows_a[r, pl.ds(16 * l, 16)] = v16
            return 0

        lax.fori_loop(0, CHUNK, init_row, 0)

    def zero_acc():
        def zfill(k, _):
            pltpu.sync_copy(rows_a, agg_sh.at[idxz_v.at[k]])
            return 0

        lax.fori_loop(0, ZCH, zfill, 0)

    def copy_out(dst_hbm):
        def out_chunk(k, _):
            pltpu.async_copy(agg_sh.at[idxz_v.at[k]], rows_a, gsem_a).wait()
            pltpu.sync_copy(rows_a, dst_hbm.at[pl.ds(ob + k * CHUNK, CHUNK)])
            return 0

        lax.fori_loop(0, ZCH, out_chunk, 0)

    pltpu.sync_copy(iota_hbm.at[sid], idxz_v)
    pltpu.sync_copy(rowc_hbm.at[pl.ds(cb, CH_PER_TILE)], rowi_v)

    fill_rows(z16)
    zero_acc()
    plsc.subcore_barrier()

    HALF = CH_PER_TILE // 2
    NPAIR = HALF // 2

    for hp in range(2):
        hc = hp * HALF
        pltpu.sync_copy(colc_hbm.at[pl.ds(cb + hc, HALF)], coli_v)
        pltpu.async_copy(x_hbm.at[coli_v.at[0]], rows_a, gsem_a)
        pltpu.async_copy(x_hbm.at[coli_v.at[1]], rows_b, gsem_b)

        def pair(t, _):
            pltpu.make_async_copy(x_hbm.at[coli_v.at[2 * t]], rows_a,
                                  gsem_a).wait()
            pltpu.sync_copy(rows_a, agg_sh.at[rowi_v.at[hc + 2 * t]],
                            add=True)

            @pl.when(t < NPAIR - 1)
            def _():
                pltpu.async_copy(x_hbm.at[coli_v.at[2 * t + 2]], rows_a,
                                 gsem_a)

            pltpu.make_async_copy(x_hbm.at[coli_v.at[2 * t + 1]], rows_b,
                                  gsem_b).wait()
            pltpu.sync_copy(rows_b, agg_sh.at[rowi_v.at[hc + 2 * t + 1]],
                            add=True)

            @pl.when(t < NPAIR - 1)
            def _():
                pltpu.async_copy(x_hbm.at[coli_v.at[2 * t + 3]], rows_b,
                                 gsem_b)

            return 0

        lax.fori_loop(0, NPAIR, pair, 0)

    plsc.subcore_barrier()
    copy_out(agg_hbm)
    plsc.subcore_barrier()

    fill_rows(o16)

    def batch_deg(bi, _):
        for j in range(IDXB):
            pltpu.async_copy(rows_a, agg_sh.at[rowi_v.at[bi * IDXB + j]],
                             dsem, add=True)
        for j in range(IDXB):
            pltpu.make_async_copy(rows_a,
                                  agg_sh.at[rowi_v.at[bi * IDXB + j]],
                                  dsem).wait()
        return 0

    lax.fori_loop(0, CH_PER_TILE // IDXB, batch_deg, 0)
    plsc.subcore_barrier()
    copy_out(deg_hbm)


@functools.cache
def _sc_scatter_kernel():
    return pl.kernel(
        _sc_body,
        out_type=(
            jax.ShapeDtypeStruct((NC * NPAD, D), jnp.float32),
            jax.ShapeDtypeStruct((NC * NPAD, D), jnp.float32),
        ),
        mesh=plsc.VectorSubcoreMesh(core_axis_name="c", subcore_axis_name="s",
                                    num_cores=NC, num_subcores=NS),
        scratch_types=[
            pltpu.MemorySpace.VMEM_SHARED((NPAD, D), jnp.float32),
            pltpu.VMEM((CH_PER_TILE, CHUNK), jnp.int32),
            pltpu.VMEM((CH_PER_TILE // 2, CHUNK), jnp.int32),
            pltpu.VMEM((ZCH, CHUNK), jnp.int32),
            pltpu.VMEM((CHUNK, D), jnp.float32),
            pltpu.VMEM((CHUNK, D), jnp.float32),
            pltpu.SemaphoreType.DMA,
            pltpu.SemaphoreType.DMA,
            pltpu.SemaphoreType.DMA,
        ],
    )


ROWB = 1024
NBLK = NPAD // ROWB


def _lin_body(x_ref, agg_ref, deg_ref, w_ref, b_ref,
              h_ref, s_ref, q_ref, sacc, qacc):
    i = pl.program_id(0)
    agg = agg_ref[0] + agg_ref[1]
    valid = (lax.broadcasted_iota(jnp.int32, (ROWB, 1), 0) + i * ROWB
             < N_NODES).astype(jnp.float32)
    deg = (deg_ref[0, :, 0:1] - agg_ref[0, :, 0:1]
           + deg_ref[1, :, 0:1] - agg_ref[1, :, 0:1])
    scale = 1.0 / jnp.maximum(deg, 1.0)
    hin = x_ref[...] + agg * scale
    h = lax.dot_general(hin, w_ref[...], (((1,), (1,)), ((), ())),
                        preferred_element_type=jnp.float32) + b_ref[...]
    h_ref[...] = h

    @pl.when(i == 0)
    def _():
        sacc[...] = jnp.zeros_like(sacc)
        qacc[...] = jnp.zeros_like(qacc)

    hm = h * valid
    sacc[...] += jnp.sum(hm, axis=0, keepdims=True)
    qacc[...] += jnp.sum(hm * hm, axis=0, keepdims=True)

    @pl.when(i == NBLK - 1)
    def _():
        s_ref[...] = sacc[...]
        q_ref[...] = qacc[...]


def _norm_body(h_ref, s_ref, q_ref, g_ref, be_ref, o_ref):
    inv_n = 1.0 / N_NODES
    mean = s_ref[...] * inv_n
    var = q_ref[...] * inv_n - mean * mean
    rstd = lax.rsqrt(var + EPS)
    o_ref[...] = jnp.maximum(
        (h_ref[...] - mean) * rstd * g_ref[...] + be_ref[...], 0.0)


def kernel(x, edge_index, W, b, gamma, beta):
    row = edge_index[0]
    col = edge_index[1]
    pad = E_PAD - N_EDGES
    row_p = jnp.concatenate([row, jnp.full((pad,), N_NODES, jnp.int32)])
    col_p = jnp.concatenate([col, jnp.zeros((pad,), jnp.int32)])
    rowc = row_p.reshape(NW * CH_PER_TILE, CHUNK)
    colc = col_p.reshape(NW * CH_PER_TILE, CHUNK)

    iota = jnp.arange(NPAD, dtype=jnp.int32).reshape(NS, ZCH, CHUNK)

    agg_flat, deg_flat = _sc_scatter_kernel()(x, rowc, colc, iota)
    agg3 = agg_flat.reshape(NC, NPAD, D)
    deg3 = deg_flat.reshape(NC, NPAD, D)
    x_p = jnp.concatenate(
        [x, jnp.zeros((NPAD - N_NODES, D), jnp.float32)], axis=0)

    b2 = b.reshape(1, D)
    g2 = gamma.reshape(1, D)
    be2 = beta.reshape(1, D)

    h, ssum, ssq = pl.pallas_call(
        _lin_body,
        grid=(NBLK,),
        in_specs=[
            pl.BlockSpec((ROWB, D), lambda i: (i, 0)),
            pl.BlockSpec((NC, ROWB, D), lambda i: (0, i, 0)),
            pl.BlockSpec((NC, ROWB, D), lambda i: (0, i, 0)),
            pl.BlockSpec((D, D), lambda i: (0, 0)),
            pl.BlockSpec((1, D), lambda i: (0, 0)),
        ],
        out_specs=[
            pl.BlockSpec((ROWB, D), lambda i: (i, 0)),
            pl.BlockSpec((1, D), lambda i: (0, 0)),
            pl.BlockSpec((1, D), lambda i: (0, 0)),
        ],
        out_shape=[
            jax.ShapeDtypeStruct((NPAD, D), jnp.float32),
            jax.ShapeDtypeStruct((1, D), jnp.float32),
            jax.ShapeDtypeStruct((1, D), jnp.float32),
        ],
        scratch_shapes=[
            pltpu.VMEM((1, D), jnp.float32),
            pltpu.VMEM((1, D), jnp.float32),
        ],
    )(x_p, agg3, deg3, W, b2)

    out = pl.pallas_call(
        _norm_body,
        grid=(NBLK,),
        in_specs=[
            pl.BlockSpec((ROWB, D), lambda i: (i, 0)),
            pl.BlockSpec((1, D), lambda i: (0, 0)),
            pl.BlockSpec((1, D), lambda i: (0, 0)),
            pl.BlockSpec((1, D), lambda i: (0, 0)),
            pl.BlockSpec((1, D), lambda i: (0, 0)),
        ],
        out_specs=pl.BlockSpec((ROWB, D), lambda i: (i, 0)),
        out_shape=jax.ShapeDtypeStruct((NPAD, D), jnp.float32),
    )(h, ssum, ssq, g2, be2)

    return out[:N_NODES]

# --- scband reference (transcript-rebuilt; emitter-appended) ---
"""Pipeline reference for scband-gnnlayer-78005196030507 (READ-ONLY COPY).

The authoritative reference and input builder live on the scoring server;
editing this copy changes nothing except your own understanding.
"""

import jax, jax.numpy as jnp
import numpy as np

N_NODES = 10000
N_EDGES = 320000
D = 128
EPS = 1e-5

def setup_inputs(seed: int = 0) -> dict:
    key = jax.random.key(seed)
    k1, k2, k3, k4 = jax.random.split(key, 4)
    x = jax.random.normal(k1, (N_NODES, D), dtype=jnp.float32)
    edge_index = jax.random.randint(k2, (2, N_EDGES), 0, N_NODES, dtype=jnp.int32)
    # Linear params (PyTorch convention: W [out, in], y = x @ W.T + b)
    bound = 1.0 / np.sqrt(D)
    W = jax.random.uniform(k3, (D, D), dtype=jnp.float32, minval=-bound, maxval=bound)
    b = jax.random.uniform(k4, (D,), dtype=jnp.float32, minval=-bound, maxval=bound)
    # BatchNorm affine params
    gamma = jnp.ones((D,), dtype=jnp.float32)
    beta = jnp.zeros((D,), dtype=jnp.float32)
    return {"x": x, "edge_index": edge_index, "W": W, "b": b, "gamma": gamma, "beta": beta}

def reference(x, edge_index, W, b, gamma, beta):
    row = edge_index[0]
    col = edge_index[1]
    # degree of destination (row) nodes, clamped at 1
    deg = jnp.clip(jnp.bincount(row, length=x.shape[0]).astype(jnp.float32), 1.0, None)
    # scatter-add aggregation of neighbor features (gather x[col], scatter to row)
    agg = jnp.zeros_like(x).at[row].add(x[col])
    agg = agg / deg[:, None]
    h = x + agg
    # Linear
    h = h @ W.T + b
    # BatchNorm1d in training mode: batch statistics (biased variance)
    mean = jnp.mean(h, axis=0)
    var = jnp.mean((h - mean) ** 2, axis=0)
    h = (h - mean) / jnp.sqrt(var + EPS) * gamma + beta
    return jax.nn.relu(h)

if __name__ == "__main__":
    import jax
    _d = setup_inputs()
    print(jax.jit(kernel)(*tuple(_d.values())))

</pallas_src>

<mosaic_0001>
#map = affine_map<(d0, d1) -> (0, 0)>
#map1 = affine_map<(d0, d1) -> (0, 0, 0)>
module attributes {stable_mosaic.version = 14 : i64} {
  func.func @_sc_body(%arg0: i32, %arg1: i32, %arg2: memref<10000x128xf32, #tpu.memory_space<hbm>>, %arg3: memref<2560x128xi32, #tpu.memory_space<hbm>>, %arg4: memref<2560x128xi32, #tpu.memory_space<hbm>>, %arg5: memref<16x5x128xi32, #tpu.memory_space<hbm>>, %arg6: memref<20480x128xf32, #tpu.memory_space<hbm>>, %arg7: memref<20480x128xf32, #tpu.memory_space<hbm>>, %arg8: memref<10240x128xf32, #tpu.memory_space<vmem_shared>>, %arg9: memref<80x128xi32, #tpu.memory_space<vmem>>, %arg10: memref<40x128xi32, #tpu.memory_space<vmem>>, %arg11: memref<5x128xi32, #tpu.memory_space<vmem>>, %arg12: memref<128x128xf32, #tpu.memory_space<vmem>>, %arg13: memref<128x128xf32, #tpu.memory_space<vmem>>, %arg14: memref<!tpu.dma_semaphore, #tpu.memory_space<semaphore_mem>>, %arg15: memref<!tpu.dma_semaphore, #tpu.memory_space<semaphore_mem>>, %arg16: memref<!tpu.dma_semaphore, #tpu.memory_space<semaphore_mem>>) attributes {dimension_semantics = [#tpu.dimension_semantics<core_parallel>, #tpu.dimension_semantics<subcore_parallel>], iteration_bounds = array<i64: 2, 16>, scalar_prefetch = 0 : i64, scratch_operands = 9 : i64, tpu.core_type = #tpu.core_type<sc_vector_subcore>, window_params = [{transform_indices = #map}, {transform_indices = #map}, {transform_indices = #map}, {transform_indices = #map1}, {transform_indices = #map}, {transform_indices = #map}]} {
    %mul3A = arith.constant 16 : i32
    %mul3A_0 = arith.muli %arg0, %mul3A : i32
    %add3A = arith.addi %mul3A_0, %arg1 : i32
    %mul3A_1 = arith.constant 80 : i32
    %mul3A_2 = arith.muli %add3A, %mul3A_1 : i32
    %mul3A_3 = arith.constant 10240 : i32
    %mul3A_4 = arith.muli %arg0, %mul3A_3 : i32
    %mul3A_5 = arith.constant 640 : i32
    %mul3A_6 = arith.muli %arg1, %mul3A_5 : i32
    %add3A_7 = arith.addi %mul3A_4, %mul3A_6 : i32
    %broadcast_in_dim3A = arith.constant 0.000000e+00 : f32
    %broadcast_in_dim3A_8 = vector.broadcast %broadcast_in_dim3A : f32 to vector<16xf32>
    %broadcast_in_dim3A_9 = arith.constant 1.000000e+00 : f32
    %broadcast_in_dim3A_10 = vector.broadcast %broadcast_in_dim3A_9 : f32 to vector<16xf32>
    "tpu.region"() ({
      %run_scoped3A = tpu.sem_alloc : memref<!tpu.dma_semaphore, #tpu.memory_space<semaphore_mem>>
      %dma_start3A_100 = arith.constant 0 : i32
      %dma_start3A_101 = arith.constant 0 : i32
      %dma_start3A_102 = tpu.memref_slice %arg5[%arg1, %dma_start3A_100, %dma_start3A_101] : memref<16x5x128xi32, #tpu.memory_space<hbm>> -> memref<1x5x128xi32, #tpu.memory_space<hbm>>
      %dma_start3A_103 = tpu.memref_squeeze %dma_start3A_102 : memref<1x5x128xi32, #tpu.memory_space<hbm>> -> memref<5x128xi32, #tpu.memory_space<hbm>>
      %dma_start3A_104 = arith.constant 0 : i32
      %dma_start3A_105 = arith.constant 0 : i32
      %dma_start3A_106 = tpu.memref_slice %arg5[%arg1, %dma_start3A_104, %dma_start3A_105] : memref<16x5x128xi32, #tpu.memory_space<hbm>> -> memref<1x5x128xi32, #tpu.memory_space<hbm>>
      %dma_start3A_107 = tpu.memref_squeeze %dma_start3A_106 : memref<1x5x128xi32, #tpu.memory_space<hbm>> -> memref<5x128xi32, #tpu.memory_space<hbm>>
      tpu.enqueue_dma source(%dma_start3A_107 : memref<5x128xi32, #tpu.memory_space<hbm>>) target(%arg11 : memref<5x128xi32, #tpu.memory_space<vmem>>) target_semaphore(%run_scoped3A : memref<!tpu.dma_semaphore, #tpu.memory_space<semaphore_mem>>)
      %dma_wait3A = arith.constant 0 : i32
      %dma_wait3A_108 = arith.constant 0 : i32
      %dma_wait3A_109 = tpu.memref_slice %arg5[%arg1, %dma_wait3A, %dma_wait3A_108] : memref<16x5x128xi32, #tpu.memory_space<hbm>> -> memref<1x5x128xi32, #tpu.memory_space<hbm>>
      %dma_wait3A_110 = tpu.memref_squeeze %dma_wait3A_109 : memref<1x5x128xi32, #tpu.memory_space<hbm>> -> memref<5x128xi32, #tpu.memory_space<hbm>>
      %dma_wait3A_111 = arith.constant 0 : i32
      %dma_wait3A_112 = arith.constant 0 : i32
      %dma_wait3A_113 = tpu.memref_slice %arg5[%arg1, %dma_wait3A_111, %dma_wait3A_112] : memref<16x5x128xi32, #tpu.memory_space<hbm>> -> memref<1x5x128xi32, #tpu.memory_space<hbm>>
      %dma_wait3A_114 = tpu.memref_squeeze %dma_wait3A_113 : memref<1x5x128xi32, #tpu.memory_space<hbm>> -> memref<5x128xi32, #tpu.memory_space<hbm>>
      tpu.wait_dma2 semaphore(%run_scoped3A : memref<!tpu.dma_semaphore, #tpu.memory_space<semaphore_mem>>) src(%dma_wait3A_114 : memref<5x128xi32, #tpu.memory_space<hbm>>) dst(%arg11 : memref<5x128xi32, #tpu.memory_space<vmem>>)
      tpu.yield
    }) : () -> ()
    "tpu.region"() ({
      %run_scoped3A = tpu.sem_alloc : memref<!tpu.dma_semaphore, #tpu.memory_space<semaphore_mem>>
      %dma_start3A_100 = arith.constant 0 : i32
      %dma_start3A_101 = tpu.memref_slice %arg3[%mul3A_2, %dma_start3A_100] : memref<2560x128xi32, #tpu.memory_space<hbm>> -> memref<80x128xi32, #tpu.memory_space<hbm>>
      %dma_start3A_102 = arith.constant 0 : i32
      %dma_start3A_103 = tpu.memref_slice %arg3[%mul3A_2, %dma_start3A_102] : memref<2560x128xi32, #tpu.memory_space<hbm>> -> memref<80x128xi32, #tpu.memory_space<hbm>>
      tpu.enqueue_dma source(%dma_start3A_103 : memref<80x128xi32, #tpu.memory_space<hbm>>) target(%arg9 : memref<80x128xi32, #tpu.memory_space<vmem>>) target_semaphore(%run_scoped3A : memref<!tpu.dma_semaphore, #tpu.memory_space<semaphore_mem>>)
      %dma_wait3A = arith.constant 0 : i32
      %dma_wait3A_104 = tpu.memref_slice %arg3[%mul3A_2, %dma_wait3A] : memref<2560x128xi32, #tpu.memory_space<hbm>> -> memref<80x128xi32, #tpu.memory_space<hbm>>
      %dma_wait3A_105 = arith.constant 0 : i32
      %dma_wait3A_106 = tpu.memref_slice %arg3[%mul3A_2, %dma_wait3A_105] : memref<2560x128xi32, #tpu.memory_space<hbm>> -> memref<80x128xi32, #tpu.memory_space<hbm>>
      tpu.wait_dma2 semaphore(%run_scoped3A : memref<!tpu.dma_semaphore, #tpu.memory_space<semaphore_mem>>) src(%dma_wait3A_106 : memref<80x128xi32, #tpu.memory_space<hbm>>) dst(%arg9 : memref<80x128xi32, #tpu.memory_space<vmem>>)
      tpu.yield
    }) : () -> ()
    %scan3A = arith.constant 0 : i32
    %scan3A_11 = arith.constant 0 : i32
    %scan3A_12 = arith.constant 128 : i32
    %scan3A_13 = arith.addi %scan3A_11, %scan3A_12 : i32
    %scan3A_14 = arith.constant 1 : i32
    %scan3A_15 = scf.for %scan3A_100 = %scan3A_11 to %scan3A_13 step %scan3A_14 iter_args(%scan3A_101 = %scan3A) -> (i32)  : i32 {
      %swap3A = arith.index_cast %scan3A_100 : i32 to index
      %swap3A_102 = arith.constant 0 : index
      %swap3A_103 = tpu.vector_load %arg12[%swap3A, %swap3A_102] {strides = array<i32>} : memref<128x128xf32, #tpu.memory_space<vmem>>, vector<1x16xf32>,
      %swap3A_104 = vector.shape_cast %swap3A_103 : vector<1x16xf32> to vector<16xf32>
      %swap3A_105 = vector.shape_cast %broadcast_in_dim3A_8 : vector<16xf32> to vector<1x16xf32>
      tpu.vector_store %arg12[%swap3A, %swap3A_102], %swap3A_105 {strides = array<i32>} : memref<128x128xf32, #tpu.memory_space<vmem>>, vector<1x16xf32>,
      %swap3A_106 = arith.index_cast %scan3A_100 : i32 to index
      %swap3A_107 = arith.constant 16 : index
      %swap3A_108 = tpu.vector_load %arg12[%swap3A_106, %swap3A_107] {strides = array<i32>} : memref<128x128xf32, #tpu.memory_space<vmem>>, vector<1x16xf32>,
      %swap3A_109 = vector.shape_cast %swap3A_108 : vector<1x16xf32> to vector<16xf32>
      %swap3A_110 = vector.shape_cast %broadcast_in_dim3A_8 : vector<16xf32> to vector<1x16xf32>
      tpu.vector_store %arg12[%swap3A_106, %swap3A_107], %swap3A_110 {strides = array<i32>} : memref<128x128xf32, #tpu.memory_space<vmem>>, vector<1x16xf32>,
      %swap3A_111 = arith.index_cast %scan3A_100 : i32 to index
      %swap3A_112 = arith.constant 32 : index
      %swap3A_113 = tpu.vector_load %arg12[%swap3A_111, %swap3A_112] {strides = array<i32>} : memref<128x128xf32, #tpu.memory_space<vmem>>, vector<1x16xf32>,
      %swap3A_114 = vector.shape_cast %swap3A_113 : vector<1x16xf32> to vector<16xf32>
      %swap3A_115 = vector.shape_cast %broadcast_in_dim3A_8 : vector<16xf32> to vector<1x16xf32>
      tpu.vector_store %arg12[%swap3A_111, %swap3A_112], %swap3A_115 {strides = array<i32>} : memref<128x128xf32, #tpu.memory_space<vmem>>, vector<1x16xf32>,
      %swap3A_116 = arith.index_cast %scan3A_100 : i32 to index
      %swap3A_117 = arith.constant 48 : index
      %swap3A_118 = tpu.vector_load %arg12[%swap3A_116, %swap3A_117] {strides = array<i32>} : memref<128x128xf32, #tpu.memory_space<vmem>>, vector<1x16xf32>,
      %swap3A_119 = vector.shape_cast %swap3A_118 : vector<1x16xf32> to vector<16xf32>
      %swap3A_120 = vector.shape_cast %broadcast_in_dim3A_8 : vector<16xf32> to vector<1x16xf32>
      tpu.vector_store %arg12[%swap3A_116, %swap3A_117], %swap3A_120 {strides = array<i32>} : memref<128x128xf32, #tpu.memory_space<vmem>>, vector<1x16xf32>,
      %swap3A_121 = arith.index_cast %scan3A_100 : i32 to index
      %swap3A_122 = arith.constant 64 : index
      %swap3A_123 = tpu.vector_load %arg12[%swap3A_121, %swap3A_122] {strides = array<i32>} : memref<128x128xf32, #tpu.memory_space<vmem>>, vector<1x16xf32>,
      %swap3A_124 = vector.shape_cast %swap3A_123 : vector<1x16xf32> to vector<16xf32>
      %swap3A_125 = vector.shape_cast %broadcast_in_dim3A_8 : vector<16xf32> to vector<1x16xf32>
      tpu.vector_store %arg12[%swap3A_121, %swap3A_122], %swap3A_125 {strides = array<i32>} : memref<128x128xf32, #tpu.memory_space<vmem>>, vector<1x16xf32>,
      %swap3A_126 = arith.index_cast %scan3A_100 : i32 to index
      %swap3A_127 = arith.constant 80 : index
      %swap3A_128 = tpu.vector_load %arg12[%swap3A_126, %swap3A_127] {strides = array<i32>} : memref<128x128xf32, #tpu.memory_space<vmem>>, vector<1x16xf32>,
      %swap3A_129 = vector.shape_cast %swap3A_128 : vector<1x16xf32> to vector<16xf32>
      %swap3A_130 = vector.shape_cast %broadcast_in_dim3A_8 : vector<16xf32> to vector<1x16xf32>
      tpu.vector_store %arg12[%swap3A_126, %swap3A_127], %swap3A_130 {strides = array<i32>} : memref<128x128xf32, #tpu.memory_space<vmem>>, vector<1x16xf32>,
      %swap3A_131 = arith.index_cast %scan3A_100 : i32 to index
      %swap3A_132 = arith.constant 96 : index
      %swap3A_133 = tpu.vector_load %arg12[%swap3A_131, %swap3A_132] {strides = array<i32>} : memref<128x128xf32, #tpu.memory_space<vmem>>, vector<1x16xf32>,
      %swap3A_134 = vector.shape_cast %swap3A_133 : vector<1x16xf32> to vector<16xf32>
      %swap3A_135 = vector.shape_cast %broadcast_in_dim3A_8 : vector<16xf32> to vector<1x16xf32>
      tpu.vector_store %arg12[%swap3A_131, %swap3A_132], %swap3A_135 {strides = array<i32>} : memref<128x128xf32, #tpu.memory_space<vmem>>, vector<1x16xf32>,
      %swap3A_136 = arith.index_cast %scan3A_100 : i32 to index
      %swap3A_137 = arith.constant 112 : index
      %swap3A_138 = tpu.vector_load %arg12[%swap3A_136, %swap3A_137] {strides = array<i32>} : memref<128x128xf32, #tpu.memory_space<vmem>>, vector<1x16xf32>,
      %swap3A_139 = vector.shape_cast %swap3A_138 : vector<1x16xf32> to vector<16xf32>
      %swap3A_140 = vector.shape_cast %broadcast_in_dim3A_8 : vector<16xf32> to vector<1x16xf32>
      tpu.vector_store %arg12[%swap3A_136, %swap3A_137], %swap3A_140 {strides = array<i32>} : memref<128x128xf32, #tpu.memory_space<vmem>>, vector<1x16xf32>,
      %scan3A_141 = arith.constant 0 : i32
      scf.yield %scan3A_141 : i32
    }
    %scan3A_16 = arith.constant 128 : i32
    %scan3A_17 = arith.constant 0 : i32
    %scan3A_18 = arith.constant 0 : i32
    %scan3A_19 = arith.constant 5 : i32
    %scan3A_20 = arith.addi %scan3A_18, %scan3A_19 : i32
    %scan3A_21 = arith.constant 1 : i32
    %scan3A_22 = scf.for %scan3A_100 = %scan3A_18 to %scan3A_20 step %scan3A_21 iter_args(%scan3A_101 = %scan3A_17) -> (i32)  : i32 {
      "tpu.region"() ({
        %run_scoped3A = tpu.sem_alloc : memref<!tpu.dma_semaphore, #tpu.memory_space<semaphore_mem>>
        %dma_start3A_103 = arith.constant 0 : i32
        %dma_start3A_104 = tpu.memref_slice %arg11[%scan3A_100, %dma_start3A_103] : memref<5x128xi32, #tpu.memory_space<vmem>> -> memref<1x128xi32, #tpu.memory_space<vmem>>
        %dma_start3A_105 = tpu.memref_squeeze %dma_start3A_104 : memref<1x128xi32, #tpu.memory_space<vmem>> -> memref<128xi32, #tpu.memory_space<vmem>>
        %dma_start3A_106 = arith.constant 0 : i32
        %dma_start3A_107 = arith.constant 0 : i32
        %dma_start3A_108 = tpu.memref_slice %arg8[%dma_start3A_106, %dma_start3A_107] : memref<10240x128xf32, #tpu.memory_space<vmem_shared>> -> memref<10240x128xf32, #tpu.memory_space<vmem_shared>>
        tpu.enqueue_indirect_dma source(%arg12 : memref<128x128xf32, #tpu.memory_space<vmem>>) target(%dma_start3A_108 : memref<10240x128xf32, #tpu.memory_space<vmem_shared>>) offsets(%dma_start3A_105 : memref<128xi32, #tpu.memory_space<vmem>>) semaphore(%run_scoped3A : memref<!tpu.dma_semaphore, #tpu.memory_space<semaphore_mem>>)
        %dma_wait3A = arith.constant 0 : i32
        %dma_wait3A_109 = tpu.memref_slice %arg11[%scan3A_100, %dma_wait3A] : memref<5x128xi32, #tpu.memory_space<vmem>> -> memref<1x128xi32, #tpu.memory_space<vmem>>
        %dma_wait3A_110 = tpu.memref_squeeze %dma_wait3A_109 : memref<1x128xi32, #tpu.memory_space<vmem>> -> memref<128xi32, #tpu.memory_space<vmem>>
        %dma_wait3A_111 = arith.constant 0 : i32
        %dma_wait3A_112 = arith.constant 0 : i32
        %dma_wait3A_113 = tpu.memref_slice %arg8[%dma_wait3A_111, %dma_wait3A_112] : memref<10240x128xf32, #tpu.memory_space<vmem_shared>> -> memref<10240x128xf32, #tpu.memory_space<vmem_shared>>
        tpu.wait_indirect_dma semaphore(%run_scoped3A : memref<!tpu.dma_semaphore, #tpu.memory_space<semaphore_mem>>) src(%arg12 : memref<128x128xf32, #tpu.memory_space<vmem>>) dst(%dma_wait3A_113 : memref<10240x128xf32, #tpu.memory_space<vmem_shared>>)
        tpu.yield
      }) : () -> ()
      %scan3A_102 = arith.constant 0 : i32
      scf.yield %scan3A_102 : i32
    }
    %scan3A_23 = arith.constant 5 : i32
    %barrier3A = arith.constant 0 : index
    tpu.barrier barrier_id(%barrier3A)
    %add3A_24 = arith.constant 0 : i32
    %add3A_25 = arith.addi %mul3A_2, %add3A_24 : i32
    "tpu.region"() ({
      %run_scoped3A = tpu.sem_alloc : memref<!tpu.dma_semaphore, #tpu.memory_space<semaphore_mem>>
      %dma_start3A_100 = arith.constant 0 : i32
      %dma_start3A_101 = tpu.memref_slice %arg4[%add3A_25, %dma_start3A_100] : memref<2560x128xi32, #tpu.memory_space<hbm>> -> memref<40x128xi32, #tpu.memory_space<hbm>>
      %dma_start3A_102 = arith.constant 0 : i32
      %dma_start3A_103 = tpu.memref_slice %arg4[%add3A_25, %dma_start3A_102] : memref<2560x128xi32, #tpu.memory_space<hbm>> -> memref<40x128xi32, #tpu.memory_space<hbm>>
      tpu.enqueue_dma source(%dma_start3A_103 : memref<40x128xi32, #tpu.memory_space<hbm>>) target(%arg10 : memref<40x128xi32, #tpu.memory_space<vmem>>) target_semaphore(%run_scoped3A : memref<!tpu.dma_semaphore, #tpu.memory_space<semaphore_mem>>)
      %dma_wait3A = arith.constant 0 : i32
      %dma_wait3A_104 = tpu.memref_slice %arg4[%add3A_25, %dma_wait3A] : memref<2560x128xi32, #tpu.memory_space<hbm>> -> memref<40x128xi32, #tpu.memory_space<hbm>>
      %dma_wait3A_105 = arith.constant 0 : i32
      %dma_wait3A_106 = tpu.memref_slice %arg4[%add3A_25, %dma_wait3A_105] : memref<2560x128xi32, #tpu.memory_space<hbm>> -> memref<40x128xi32, #tpu.memory_space<hbm>>
      tpu.wait_dma2 semaphore(%run_scoped3A : memref<!tpu.dma_semaphore, #tpu.memory_space<semaphore_mem>>) src(%dma_wait3A_106 : memref<40x128xi32, #tpu.memory_space<hbm>>) dst(%arg10 : memref<40x128xi32, #tpu.memory_space<vmem>>)
      tpu.yield
    }) : () -> ()
    %dma_start3A = arith.constant 0 : i32
    %dma_start3A_26 = arith.constant 0 : i32
    %dma_start3A_27 = tpu.memref_slice %arg10[%dma_start3A, %dma_start3A_26] : memref<40x128xi32, #tpu.memory_space<vmem>> -> memref<1x128xi32, #tpu.memory_space<vmem>>
    %dma_start3A_28 = tpu.memref_squeeze %dma_start3A_27 : memref<1x128xi32, #tpu.memory_space<vmem>> -> memref<128xi32, #tpu.memory_space<vmem>>
    %dma_start3A_29 = arith.constant 0 : i32
    %dma_start3A_30 = arith.constant 0 : i32
    %dma_start3A_31 = tpu.memref_slice %arg2[%dma_start3A_29, %dma_start3A_30] : memref<10000x128xf32, #tpu.memory_space<hbm>> -> memref<10000x128xf32, #tpu.memory_space<hbm>>
    tpu.enqueue_indirect_dma source(%dma_start3A_31 : memref<10000x128xf32, #tpu.memory_space<hbm>>) target(%arg12 : memref<128x128xf32, #tpu.memory_space<vmem>>) offsets(%dma_start3A_28 : memref<128xi32, #tpu.memory_space<vmem>>) semaphore(%arg14 : memref<!tpu.dma_semaphore, #tpu.memory_space<semaphore_mem>>)
    %dma_start3A_32 = arith.constant 1 : i32
    %dma_start3A_33 = arith.constant 0 : i32
    %dma_start3A_34 = tpu.memref_slice %arg10[%dma_start3A_32, %dma_start3A_33] : memref<40x128xi32, #tpu.memory_space<vmem>> -> memref<1x128xi32, #tpu.memory_space<vmem>>
    %dma_start3A_35 = tpu.memref_squeeze %dma_start3A_34 : memref<1x128xi32, #tpu.memory_space<vmem>> -> memref<128xi32, #tpu.memory_space<vmem>>
    %dma_start3A_36 = arith.constant 0 : i32
    %dma_start3A_37 = arith.constant 0 : i32
    %dma_start3A_38 = tpu.memref_slice %arg2[%dma_start3A_36, %dma_start3A_37] : memref<10000x128xf32, #tpu.memory_space<hbm>> -> memref<10000x128xf32, #tpu.memory_space<hbm>>
    tpu.enqueue_indirect_dma source(%dma_start3A_38 : memref<10000x128xf32, #tpu.memory_space<hbm>>) target(%arg13 : memref<128x128xf32, #tpu.memory_space<vmem>>) offsets(%dma_start3A_35 : memref<128xi32, #tpu.memory_space<vmem>>) semaphore(%arg15 : memref<!tpu.dma_semaphore, #tpu.memory_space<semaphore_mem>>)
    %scan3A_39 = arith.constant 0 : i32
    %scan3A_40 = arith.constant 0 : i32
    %scan3A_41 = arith.constant 20 : i32
    %scan3A_42 = arith.addi %scan3A_40, %scan3A_41 : i32
    %scan3A_43 = arith.constant 1 : i32
    %scan3A_44 = scf.for %scan3A_100 = %scan3A_40 to %scan3A_42 step %scan3A_43 iter_args(%scan3A_101 = %scan3A_39) -> (i32)  : i32 {
      %mul3A_102 = arith.constant 2 : i32
      %mul3A_103 = arith.muli %mul3A_102, %scan3A_100 : i32
      %dma_wait3A = arith.constant 0 : i32
      %dma_wait3A_104 = tpu.memref_slice %arg10[%mul3A_103, %dma_wait3A] : memref<40x128xi32, #tpu.memory_space<vmem>> -> memref<1x128xi32, #tpu.memory_space<vmem>>
      %dma_wait3A_105 = tpu.memref_squeeze %dma_wait3A_104 : memref<1x128xi32, #tpu.memory_space<vmem>> -> memref<128xi32, #tpu.memory_space<vmem>>
      %dma_wait3A_106 = arith.constant 0 : i32
      %dma_wait3A_107 = arith.constant 0 : i32
      %dma_wait3A_108 = tpu.memref_slice %arg2[%dma_wait3A_106, %dma_wait3A_107] : memref<10000x128xf32, #tpu.memory_space<hbm>> -> memref<10000x128xf32, #tpu.memory_space<hbm>>
      tpu.wait_indirect_dma semaphore(%arg14 : memref<!tpu.dma_semaphore, #tpu.memory_space<semaphore_mem>>) src(%dma_wait3A_108 : memref<10000x128xf32, #tpu.memory_space<hbm>>) dst(%arg12 : memref<128x128xf32, #tpu.memory_space<vmem>>)
      %mul3A_109 = arith.constant 2 : i32
      %mul3A_110 = arith.muli %mul3A_109, %scan3A_100 : i32
      %add3A_111 = arith.constant 0 : i32
      %add3A_112 = arith.addi %add3A_111, %mul3A_110 : i32
      "tpu.region"() ({
        %run_scoped3A = tpu.sem_alloc : memref<!tpu.dma_semaphore, #tpu.memory_space<semaphore_mem>>
        %dma_start3A_137 = arith.constant 0 : i32
        %dma_start3A_138 = tpu.memref_slice %arg9[%add3A_112, %dma_start3A_137] : memref<80x128xi32, #tpu.memory_space<vmem>> -> memref<1x128xi32, #tpu.memory_space<vmem>>
        %dma_start3A_139 = tpu.memref_squeeze %dma_start3A_138 : memref<1x128xi32, #tpu.memory_space<vmem>> -> memref<128xi32, #tpu.memory_space<vmem>>
        %dma_start3A_140 = arith.constant 0 : i32
        %dma_start3A_141 = arith.constant 0 : i32
        %dma_start3A_142 = tpu.memref_slice %arg8[%dma_start3A_140, %dma_start3A_141] : memref<10240x128xf32, #tpu.memory_space<vmem_shared>> -> memref<10240x128xf32, #tpu.memory_space<vmem_shared>>
        tpu.enqueue_indirect_dma source(%arg12 : memref<128x128xf32, #tpu.memory_space<vmem>>) target(%dma_start3A_142 : memref<10240x128xf32, #tpu.memory_space<vmem_shared>>) offsets(%dma_start3A_139 : memref<128xi32, #tpu.memory_space<vmem>>) semaphore(%run_scoped3A : memref<!tpu.dma_semaphore, #tpu.memory_space<semaphore_mem>>) {add = true}
        %dma_wait3A_143 = arith.constant 0 : i32
        %dma_wait3A_144 = tpu.memref_slice %arg9[%add3A_112, %dma_wait3A_143] : memref<80x128xi32, #tpu.memory_space<vmem>> -> memref<1x128xi32, #tpu.memory_space<vmem>>
        %dma_wait3A_145 = tpu.memref_squeeze %dma_wait3A_144 : memref<1x128xi32, #tpu.memory_space<vmem>> -> memref<128xi32, #tpu.memory_space<vmem>>
        %dma_wait3A_146 = arith.constant 0 : i32
        %dma_wait3A_147 = arith.constant 0 : i32
        %dma_wait3A_148 = tpu.memref_slice %arg8[%dma_wait3A_146, %dma_wait3A_147] : memref<10240x128xf32, #tpu.memory_space<vmem_shared>> -> memref<10240x128xf32, #tpu.memory_space<vmem_shared>>
        tpu.wait_indirect_dma semaphore(%run_scoped3A : memref<!tpu.dma_semaphore, #tpu.memory_space<semaphore_mem>>) src(%arg12 : memref<128x128xf32, #tpu.memory_space<vmem>>) dst(%dma_wait3A_148 : memref<10240x128xf32, #tpu.memory_space<vmem_shared>>)
        tpu.yield
      }) : () -> ()
      %lt3A = arith.constant 19 : i32
      %lt3A_113 = arith.cmpi slt, %scan3A_100, %lt3A : i32
      %convert_element_type3A = arith.extui %lt3A_113 : i1 to i32
      %cond3A = arith.constant 0 : i32
      %cond3A_114 = arith.cmpi ne, %convert_element_type3A, %cond3A : i32
      scf.if %cond3A_114 {
        %mul3A_137 = arith.constant 2 : i32
        %mul3A_138 = arith.muli %mul3A_137, %scan3A_100 : i32
        %add3A_139 = arith.constant 2 : i32
        %add3A_140 = arith.addi %mul3A_138, %add3A_139 : i32
        %dma_start3A_141 = arith.constant 0 : i32
        %dma_start3A_142 = tpu.memref_slice %arg10[%add3A_140, %dma_start3A_141] : memref<40x128xi32, #tpu.memory_space<vmem>> -> memref<1x128xi32, #tpu.memory_space<vmem>>
        %dma_start3A_143 = tpu.memref_squeeze %dma_start3A_142 : memref<1x128xi32, #tpu.memory_space<vmem>> -> memref<128xi32, #tpu.memory_space<vmem>>
        %dma_start3A_144 = arith.constant 0 : i32
        %dma_start3A_145 = arith.constant 0 : i32
        %dma_start3A_146 = tpu.memref_slice %arg2[%dma_start3A_144, %dma_start3A_145] : memref<10000x128xf32, #tpu.memory_space<hbm>> -> memref<10000x128xf32, #tpu.memory_space<hbm>>
        tpu.enqueue_indirect_dma source(%dma_start3A_146 : memref<10000x128xf32, #tpu.memory_space<hbm>>) target(%arg12 : memref<128x128xf32, #tpu.memory_space<vmem>>) offsets(%dma_start3A_143 : memref<128xi32, #tpu.memory_space<vmem>>) semaphore(%arg14 : memref<!tpu.dma_semaphore, #tpu.memory_space<semaphore_mem>>)
      } else {
      }
      %mul3A_115 = arith.constant 2 : i32
      %mul3A_116 = arith.muli %mul3A_115, %scan3A_100 : i32
      %add3A_117 = arith.constant 1 : i32
      %add3A_118 = arith.addi %mul3A_116, %add3A_117 : i32
      %dma_wait3A_119 = arith.constant 0 : i32
      %dma_wait3A_120 = tpu.memref_slice %arg10[%add3A_118, %dma_wait3A_119] : memref<40x128xi32, #tpu.memory_space<vmem>> -> memref<1x128xi32, #tpu.memory_space<vmem>>
      %dma_wait3A_121 = tpu.memref_squeeze %dma_wait3A_120 : memref<1x128xi32, #tpu.memory_space<vmem>> -> memref<128xi32, #tpu.memory_space<vmem>>
      %dma_wait3A_122 = arith.constant 0 : i32
      %dma_wait3A_123 = arith.constant 0 : i32
      %dma_wait3A_124 = tpu.memref_slice %arg2[%dma_wait3A_122, %dma_wait3A_123] : memref<10000x128xf32, #tpu.memory_space<hbm>> -> memref<10000x128xf32, #tpu.memory_space<hbm>>
      tpu.wait_indirect_dma semaphore(%arg15 : memref<!tpu.dma_semaphore, #tpu.memory_space<semaphore_mem>>) src(%dma_wait3A_124 : memref<10000x128xf32, #tpu.memory_space<hbm>>) dst(%arg13 : memref<128x128xf32, #tpu.memory_space<vmem>>)
      %mul3A_125 = arith.constant 2 : i32
      %mul3A_126 = arith.muli %mul3A_125, %scan3A_100 : i32
      %add3A_127 = arith.constant 0 : i32
      %add3A_128 = arith.addi %add3A_127, %mul3A_126 : i32
      %add3A_129 = arith.constant 1 : i32
      %add3A_130 = arith.addi %add3A_128, %add3A_129 : i32
      "tpu.region"() ({
        %run_scoped3A = tpu.sem_alloc : memref<!tpu.dma_semaphore, #tpu.memory_space<semaphore_mem>>
        %dma_start3A_137 = arith.constant 0 : i32
        %dma_start3A_138 = tpu.memref_slice %arg9[%add3A_130, %dma_start3A_137] : memref<80x128xi32, #tpu.memory_space<vmem>> -> memref<1x128xi32, #tpu.memory_space<vmem>>
        %dma_start3A_139 = tpu.memref_squeeze %dma_start3A_138 : memref<1x128xi32, #tpu.memory_space<vmem>> -> memref<128xi32, #tpu.memory_space<vmem>>
        %dma_start3A_140 = arith.constant 0 : i32
        %dma_start3A_141 = arith.constant 0 : i32
        %dma_start3A_142 = tpu.memref_slice %arg8[%dma_start3A_140, %dma_start3A_141] : memref<10240x128xf32, #tpu.memory_space<vmem_shared>> -> memref<10240x128xf32, #tpu.memory_space<vmem_shared>>
        tpu.enqueue_indirect_dma source(%arg13 : memref<128x128xf32, #tpu.memory_space<vmem>>) target(%dma_start3A_142 : memref<10240x128xf32, #tpu.memory_space<vmem_shared>>) offsets(%dma_start3A_139 : memref<128xi32, #tpu.memory_space<vmem>>) semaphore(%run_scoped3A : memref<!tpu.dma_semaphore, #tpu.memory_space<semaphore_mem>>) {add = true}
        %dma_wait3A_143 = arith.constant 0 : i32
        %dma_wait3A_144 = tpu.memref_slice %arg9[%add3A_130, %dma_wait3A_143] : memref<80x128xi32, #tpu.memory_space<vmem>> -> memref<1x128xi32, #tpu.memory_space<vmem>>
        %dma_wait3A_145 = tpu.memref_squeeze %dma_wait3A_144 : memref<1x128xi32, #tpu.memory_space<vmem>> -> memref<128xi32, #tpu.memory_space<vmem>>
        %dma_wait3A_146 = arith.constant 0 : i32
        %dma_wait3A_147 = arith.constant 0 : i32
        %dma_wait3A_148 = tpu.memref_slice %arg8[%dma_wait3A_146, %dma_wait3A_147] : memref<10240x128xf32, #tpu.memory_space<vmem_shared>> -> memref<10240x128xf32, #tpu.memory_space<vmem_shared>>
        tpu.wait_indirect_dma semaphore(%run_scoped3A : memref<!tpu.dma_semaphore, #tpu.memory_space<semaphore_mem>>) src(%arg13 : memref<128x128xf32, #tpu.memory_space<vmem>>) dst(%dma_wait3A_148 : memref<10240x128xf32, #tpu.memory_space<vmem_shared>>)
        tpu.yield
      }) : () -> ()
      %lt3A_131 = arith.constant 19 : i32
      %lt3A_132 = arith.cmpi slt, %scan3A_100, %lt3A_131 : i32
      %convert_element_type3A_133 = arith.extui %lt3A_132 : i1 to i32
      %cond3A_134 = arith.constant 0 : i32
      %cond3A_135 = arith.cmpi ne, %convert_element_type3A_133, %cond3A_134 : i32
      scf.if %cond3A_135 {
        %mul3A_137 = arith.constant 2 : i32
        %mul3A_138 = arith.muli %mul3A_137, %scan3A_100 : i32
        %add3A_139 = arith.constant 3 : i32
        %add3A_140 = arith.addi %mul3A_138, %add3A_139 : i32
        %dma_start3A_141 = arith.constant 0 : i32
        %dma_start3A_142 = tpu.memref_slice %arg10[%add3A_140, %dma_start3A_141] : memref<40x128xi32, #tpu.memory_space<vmem>> -> memref<1x128xi32, #tpu.memory_space<vmem>>
        %dma_start3A_143 = tpu.memref_squeeze %dma_start3A_142 : memref<1x128xi32, #tpu.memory_space<vmem>> -> memref<128xi32, #tpu.memory_space<vmem>>
        %dma_start3A_144 = arith.constant 0 : i32
        %dma_start3A_145 = arith.constant 0 : i32
        %dma_start3A_146 = tpu.memref_slice %arg2[%dma_start3A_144, %dma_start3A_145] : memref<10000x128xf32, #tpu.memory_space<hbm>> -> memref<10000x128xf32, #tpu.memory_space<hbm>>
        tpu.enqueue_indirect_dma source(%dma_start3A_146 : memref<10000x128xf32, #tpu.memory_space<hbm>>) target(%arg13 : memref<128x128xf32, #tpu.memory_space<vmem>>) offsets(%dma_start3A_143 : memref<128xi32, #tpu.memory_space<vmem>>) semaphore(%arg15 : memref<!tpu.dma_semaphore, #tpu.memory_space<semaphore_mem>>)
      } else {
      }
      %scan3A_136 = arith.constant 0 : i32
      scf.yield %scan3A_136 : i32
    }
    %scan3A_45 = arith.constant 20 : i32
    %add3A_46 = arith.constant 40 : i32
    %add3A_47 = arith.addi %mul3A_2, %add3A_46 : i32
    "tpu.region"() ({
      %run_scoped3A = tpu.sem_alloc : memref<!tpu.dma_semaphore, #tpu.memory_space<semaphore_mem>>
      %dma_start3A_100 = arith.constant 0 : i32
      %dma_start3A_101 = tpu.memref_slice %arg4[%add3A_47, %dma_start3A_100] : memref<2560x128xi32, #tpu.memory_space<hbm>> -> memref<40x128xi32, #tpu.memory_space<hbm>>
      %dma_start3A_102 = arith.constant 0 : i32
      %dma_start3A_103 = tpu.memref_slice %arg4[%add3A_47, %dma_start3A_102] : memref<2560x128xi32, #tpu.memory_space<hbm>> -> memref<40x128xi32, #tpu.memory_space<hbm>>
      tpu.enqueue_dma source(%dma_start3A_103 : memref<40x128xi32, #tpu.memory_space<hbm>>) target(%arg10 : memref<40x128xi32, #tpu.memory_space<vmem>>) target_semaphore(%run_scoped3A : memref<!tpu.dma_semaphore, #tpu.memory_space<semaphore_mem>>)
      %dma_wait3A = arith.constant 0 : i32
      %dma_wait3A_104 = tpu.memref_slice %arg4[%add3A_47, %dma_wait3A] : memref<2560x128xi32, #tpu.memory_space<hbm>> -> memref<40x128xi32, #tpu.memory_space<hbm>>
      %dma_wait3A_105 = arith.constant 0 : i32
      %dma_wait3A_106 = tpu.memref_slice %arg4[%add3A_47, %dma_wait3A_105] : memref<2560x128xi32, #tpu.memory_space<hbm>> -> memref<40x128xi32, #tpu.memory_space<hbm>>
      tpu.wait_dma2 semaphore(%run_scoped3A : memref<!tpu.dma_semaphore, #tpu.memory_space<semaphore_mem>>) src(%dma_wait3A_106 : memref<40x128xi32, #tpu.memory_space<hbm>>) dst(%arg10 : memref<40x128xi32, #tpu.memory_space<vmem>>)
      tpu.yield
    }) : () -> ()
    %dma_start3A_48 = arith.constant 0 : i32
    %dma_start3A_49 = arith.constant 0 : i32
    %dma_start3A_50 = tpu.memref_slice %arg10[%dma_start3A_48, %dma_start3A_49] : memref<40x128xi32, #tpu.memory_space<vmem>> -> memref<1x128xi32, #tpu.memory_space<vmem>>
    %dma_start3A_51 = tpu.memref_squeeze %dma_start3A_50 : memref<1x128xi32, #tpu.memory_space<vmem>> -> memref<128xi32, #tpu.memory_space<vmem>>
    %dma_start3A_52 = arith.constant 0 : i32
    %dma_start3A_53 = arith.constant 0 : i32
    %dma_start3A_54 = tpu.memref_slice %arg2[%dma_start3A_52, %dma_start3A_53] : memref<10000x128xf32, #tpu.memory_space<hbm>> -> memref<10000x128xf32, #tpu.memory_space<hbm>>
    tpu.enqueue_indirect_dma source(%dma_start3A_54 : memref<10000x128xf32, #tpu.memory_space<hbm>>) target(%arg12 : memref<128x128xf32, #tpu.memory_space<vmem>>) offsets(%dma_start3A_51 : memref<128xi32, #tpu.memory_space<vmem>>) semaphore(%arg14 : memref<!tpu.dma_semaphore, #tpu.memory_space<semaphore_mem>>)
    %dma_start3A_55 = arith.constant 1 : i32
    %dma_start3A_56 = arith.constant 0 : i32
    %dma_start3A_57 = tpu.memref_slice %arg10[%dma_start3A_55, %dma_start3A_56] : memref<40x128xi32, #tpu.memory_space<vmem>> -> memref<1x128xi32, #tpu.memory_space<vmem>>
    %dma_start3A_58 = tpu.memref_squeeze %dma_start3A_57 : memref<1x128xi32, #tpu.memory_space<vmem>> -> memref<128xi32, #tpu.memory_space<vmem>>
    %dma_start3A_59 = arith.constant 0 : i32
    %dma_start3A_60 = arith.constant 0 : i32
    %dma_start3A_61 = tpu.memref_slice %arg2[%dma_start3A_59, %dma_start3A_60] : memref<10000x128xf32, #tpu.memory_space<hbm>> -> memref<10000x128xf32, #tpu.memory_space<hbm>>
    tpu.enqueue_indirect_dma source(%dma_start3A_61 : memref<10000x128xf32, #tpu.memory_space<hbm>>) target(%arg13 : memref<128x128xf32, #tpu.memory_space<vmem>>) offsets(%dma_start3A_58 : memref<128xi32, #tpu.memory_space<vmem>>) semaphore(%arg15 : memref<!tpu.dma_semaphore, #tpu.memory_space<semaphore_mem>>)
    %scan3A_62 = arith.constant 0 : i32
    %scan3A_63 = arith.constant 0 : i32
    %scan3A_64 = arith.constant 20 : i32
    %scan3A_65 = arith.addi %scan3A_63, %scan3A_64 : i32
    %scan3A_66 = arith.constant 1 : i32
    %scan3A_67 = scf.for %scan3A_100 = %scan3A_63 to %scan3A_65 step %scan3A_66 iter_args(%scan3A_101 = %scan3A_62) -> (i32)  : i32 {
      %mul3A_102 = arith.constant 2 : i32
      %mul3A_103 = arith.muli %mul3A_102, %scan3A_100 : i32
      %dma_wait3A = arith.constant 0 : i32
      %dma_wait3A_104 = tpu.memref_slice %arg10[%mul3A_103, %dma_wait3A] : memref<40x128xi32, #tpu.memory_space<vmem>> -> memref<1x128xi32, #tpu.memory_space<vmem>>
      %dma_wait3A_105 = tpu.memref_squeeze %dma_wait3A_104 : memref<1x128xi32, #tpu.memory_space<vmem>> -> memref<128xi32, #tpu.memory_space<vmem>>
      %dma_wait3A_106 = arith.constant 0 : i32
      %dma_wait3A_107 = arith.constant 0 : i32
      %dma_wait3A_108 = tpu.memref_slice %arg2[%dma_wait3A_106, %dma_wait3A_107] : memref<10000x128xf32, #tpu.memory_space<hbm>> -> memref<10000x128xf32, #tpu.memory_space<hbm>>
      tpu.wait_indirect_dma semaphore(%arg14 : memref<!tpu.dma_semaphore, #tpu.memory_space<semaphore_mem>>) src(%dma_wait3A_108 : memref<10000x128xf32, #tpu.memory_space<hbm>>) dst(%arg12 : memref<128x128xf32, #tpu.memory_space<vmem>>)
      %mul3A_109 = arith.constant 2 : i32
      %mul3A_110 = arith.muli %mul3A_109, %scan3A_100 : i32
      %add3A_111 = arith.constant 40 : i32
      %add3A_112 = arith.addi %add3A_111, %mul3A_110 : i32
      "tpu.region"() ({
        %run_scoped3A = tpu.sem_alloc : memref<!tpu.dma_semaphore, #tpu.memory_space<semaphore_mem>>
        %dma_start3A_137 = arith.constant 0 : i32
        %dma_start3A_138 = tpu.memref_slice %arg9[%add3A_112, %dma_start3A_137] : memref<80x128xi32, #tpu.memory_space<vmem>> -> memref<1x128xi32, #tpu.memory_space<vmem>>
        %dma_start3A_139 = tpu.memref_squeeze %dma_start3A_138 : memref<1x128xi32, #tpu.memory_space<vmem>> -> memref<128xi32, #tpu.memory_space<vmem>>
        %dma_start3A_140 = arith.constant 0 : i32
        %dma_start3A_141 = arith.constant 0 : i32
        %dma_start3A_142 = tpu.memref_slice %arg8[%dma_start3A_140, %dma_start3A_141] : memref<10240x128xf32, #tpu.memory_space<vmem_shared>> -> memref<10240x128xf32, #tpu.memory_space<vmem_shared>>
        tpu.enqueue_indirect_dma source(%arg12 : memref<128x128xf32, #tpu.memory_space<vmem>>) target(%dma_start3A_142 : memref<10240x128xf32, #tpu.memory_space<vmem_shared>>) offsets(%dma_start3A_139 : memref<128xi32, #tpu.memory_space<vmem>>) semaphore(%run_scoped3A : memref<!tpu.dma_semaphore, #tpu.memory_space<semaphore_mem>>) {add = true}
        %dma_wait3A_143 = arith.constant 0 : i32
        %dma_wait3A_144 = tpu.memref_slice %arg9[%add3A_112, %dma_wait3A_143] : memref<80x128xi32, #tpu.memory_space<vmem>> -> memref<1x128xi32, #tpu.memory_space<vmem>>
        %dma_wait3A_145 = tpu.memref_squeeze %dma_wait3A_144 : memref<1x128xi32, #tpu.memory_space<vmem>> -> memref<128xi32, #tpu.memory_space<vmem>>
        %dma_wait3A_146 = arith.constant 0 : i32
        %dma_wait3A_147 = arith.constant 0 : i32
        %dma_wait3A_148 = tpu.memref_slice %arg8[%dma_wait3A_146, %dma_wait3A_147] : memref<10240x128xf32, #tpu.memory_space<vmem_shared>> -> memref<10240x128xf32, #tpu.memory_space<vmem_shared>>
        tpu.wait_indirect_dma semaphore(%run_scoped3A : memref<!tpu.dma_semaphore, #tpu.memory_space<semaphore_mem>>) src(%arg12 : memref<128x128xf32, #tpu.memory_space<vmem>>) dst(%dma_wait3A_148 : memref<10240x128xf32, #tpu.memory_space<vmem_shared>>)
        tpu.yield
      }) : () -> ()
      %lt3A = arith.constant 19 : i32
      %lt3A_113 = arith.cmpi slt, %scan3A_100, %lt3A : i32
      %convert_element_type3A = arith.extui %lt3A_113 : i1 to i32
      %cond3A = arith.constant 0 : i32
      %cond3A_114 = arith.cmpi ne, %convert_element_type3A, %cond3A : i32
      scf.if %cond3A_114 {
        %mul3A_137 = arith.constant 2 : i32
        %mul3A_138 = arith.muli %mul3A_137, %scan3A_100 : i32
        %add3A_139 = arith.constant 2 : i32
        %add3A_140 = arith.addi %mul3A_138, %add3A_139 : i32
        %dma_start3A_141 = arith.constant 0 : i32
        %dma_start3A_142 = tpu.memref_slice %arg10[%add3A_140, %dma_start3A_141] : memref<40x128xi32, #tpu.memory_space<vmem>> -> memref<1x128xi32, #tpu.memory_space<vmem>>
        %dma_start3A_143 = tpu.memref_squeeze %dma_start3A_142 : memref<1x128xi32, #tpu.memory_space<vmem>> -> memref<128xi32, #tpu.memory_space<vmem>>
        %dma_start3A_144 = arith.constant 0 : i32
        %dma_start3A_145 = arith.constant 0 : i32
        %dma_start3A_146 = tpu.memref_slice %arg2[%dma_start3A_144, %dma_start3A_145] : memref<10000x128xf32, #tpu.memory_space<hbm>> -> memref<10000x128xf32, #tpu.memory_space<hbm>>
        tpu.enqueue_indirect_dma source(%dma_start3A_146 : memref<10000x128xf32, #tpu.memory_space<hbm>>) target(%arg12 : memref<128x128xf32, #tpu.memory_space<vmem>>) offsets(%dma_start3A_143 : memref<128xi32, #tpu.memory_space<vmem>>) semaphore(%arg14 : memref<!tpu.dma_semaphore, #tpu.memory_space<semaphore_mem>>)
      } else {
      }
      %mul3A_115 = arith.constant 2 : i32
      %mul3A_116 = arith.muli %mul3A_115, %scan3A_100 : i32
      %add3A_117 = arith.constant 1 : i32
      %add3A_118 = arith.addi %mul3A_116, %add3A_117 : i32
      %dma_wait3A_119 = arith.constant 0 : i32
      %dma_wait3A_120 = tpu.memref_slice %arg10[%add3A_118, %dma_wait3A_119] : memref<40x128xi32, #tpu.memory_space<vmem>> -> memref<1x128xi32, #tpu.memory_space<vmem>>
      %dma_wait3A_121 = tpu.memref_squeeze %dma_wait3A_120 : memref<1x128xi32, #tpu.memory_space<vmem>> -> memref<128xi32, #tpu.memory_space<vmem>>
      %dma_wait3A_122 = arith.constant 0 : i32
      %dma_wait3A_123 = arith.constant 0 : i32
      %dma_wait3A_124 = tpu.memref_slice %arg2[%dma_wait3A_122, %dma_wait3A_123] : memref<10000x128xf32, #tpu.memory_space<hbm>> -> memref<10000x128xf32, #tpu.memory_space<hbm>>
      tpu.wait_indirect_dma semaphore(%arg15 : memref<!tpu.dma_semaphore, #tpu.memory_space<semaphore_mem>>) src(%dma_wait3A_124 : memref<10000x128xf32, #tpu.memory_space<hbm>>) dst(%arg13 : memref<128x128xf32, #tpu.memory_space<vmem>>)
      %mul3A_125 = arith.constant 2 : i32
      %mul3A_126 = arith.muli %mul3A_125, %scan3A_100 : i32
      %add3A_127 = arith.constant 40 : i32
      %add3A_128 = arith.addi %add3A_127, %mul3A_126 : i32
      %add3A_129 = arith.constant 1 : i32
      %add3A_130 = arith.addi %add3A_128, %add3A_129 : i32
      "tpu.region"() ({
        %run_scoped3A = tpu.sem_alloc : memref<!tpu.dma_semaphore, #tpu.memory_space<semaphore_mem>>
        %dma_start3A_137 = arith.constant 0 : i32
        %dma_start3A_138 = tpu.memref_slice %arg9[%add3A_130, %dma_start3A_137] : memref<80x128xi32, #tpu.memory_space<vmem>> -> memref<1x128xi32, #tpu.memory_space<vmem>>
        %dma_start3A_139 = tpu.memref_squeeze %dma_start3A_138 : memref<1x128xi32, #tpu.memory_space<vmem>> -> memref<128xi32, #tpu.memory_space<vmem>>
        %dma_start3A_140 = arith.constant 0 : i32
        %dma_start3A_141 = arith.constant 0 : i32
        %dma_start3A_142 = tpu.memref_slice %arg8[%dma_start3A_140, %dma_start3A_141] : memref<10240x128xf32, #tpu.memory_space<vmem_shared>> -> memref<10240x128xf32, #tpu.memory_space<vmem_shared>>
        tpu.enqueue_indirect_dma source(%arg13 : memref<128x128xf32, #tpu.memory_space<vmem>>) target(%dma_start3A_142 : memref<10240x128xf32, #tpu.memory_space<vmem_shared>>) offsets(%dma_start3A_139 : memref<128xi32, #tpu.memory_space<vmem>>) semaphore(%run_scoped3A : memref<!tpu.dma_semaphore, #tpu.memory_space<semaphore_mem>>) {add = true}
        %dma_wait3A_143 = arith.constant 0 : i32
        %dma_wait3A_144 = tpu.memref_slice %arg9[%add3A_130, %dma_wait3A_143] : memref<80x128xi32, #tpu.memory_space<vmem>> -> memref<1x128xi32, #tpu.memory_space<vmem>>
        %dma_wait3A_145 = tpu.memref_squeeze %dma_wait3A_144 : memref<1x128xi32, #tpu.memory_space<vmem>> -> memref<128xi32, #tpu.memory_space<vmem>>
        %dma_wait3A_146 = arith.constant 0 : i32
        %dma_wait3A_147 = arith.constant 0 : i32
        %dma_wait3A_148 = tpu.memref_slice %arg8[%dma_wait3A_146, %dma_wait3A_147] : memref<10240x128xf32, #tpu.memory_space<vmem_shared>> -> memref<10240x128xf32, #tpu.memory_space<vmem_shared>>
        tpu.wait_indirect_dma semaphore(%run_scoped3A : memref<!tpu.dma_semaphore, #tpu.memory_space<semaphore_mem>>) src(%arg13 : memref<128x128xf32, #tpu.memory_space<vmem>>) dst(%dma_wait3A_148 : memref<10240x128xf32, #tpu.memory_space<vmem_shared>>)
        tpu.yield
      }) : () -> ()
      %lt3A_131 = arith.constant 19 : i32
      %lt3A_132 = arith.cmpi slt, %scan3A_100, %lt3A_131 : i32
      %convert_element_type3A_133 = arith.extui %lt3A_132 : i1 to i32
      %cond3A_134 = arith.constant 0 : i32
      %cond3A_135 = arith.cmpi ne, %convert_element_type3A_133, %cond3A_134 : i32
      scf.if %cond3A_135 {
        %mul3A_137 = arith.constant 2 : i32
        %mul3A_138 = arith.muli %mul3A_137, %scan3A_100 : i32
        %add3A_139 = arith.constant 3 : i32
        %add3A_140 = arith.addi %mul3A_138, %add3A_139 : i32
        %dma_start3A_141 = arith.constant 0 : i32
        %dma_start3A_142 = tpu.memref_slice %arg10[%add3A_140, %dma_start3A_141] : memref<40x128xi32, #tpu.memory_space<vmem>> -> memref<1x128xi32, #tpu.memory_space<vmem>>
        %dma_start3A_143 = tpu.memref_squeeze %dma_start3A_142 : memref<1x128xi32, #tpu.memory_space<vmem>> -> memref<128xi32, #tpu.memory_space<vmem>>
        %dma_start3A_144 = arith.constant 0 : i32
        %dma_start3A_145 = arith.constant 0 : i32
        %dma_start3A_146 = tpu.memref_slice %arg2[%dma_start3A_144, %dma_start3A_145] : memref<10000x128xf32, #tpu.memory_space<hbm>> -> memref<10000x128xf32, #tpu.memory_space<hbm>>
        tpu.enqueue_indirect_dma source(%dma_start3A_146 : memref<10000x128xf32, #tpu.memory_space<hbm>>) target(%arg13 : memref<128x128xf32, #tpu.memory_space<vmem>>) offsets(%dma_start3A_143 : memref<128xi32, #tpu.memory_space<vmem>>) semaphore(%arg15 : memref<!tpu.dma_semaphore, #tpu.memory_space<semaphore_mem>>)
      } else {
      }
      %scan3A_136 = arith.constant 0 : i32
      scf.yield %scan3A_136 : i32
    }
    %scan3A_68 = arith.constant 20 : i32
    %barrier3A_69 = arith.constant 0 : index
    tpu.barrier barrier_id(%barrier3A_69)
    %scan3A_70 = arith.constant 0 : i32
    %scan3A_71 = arith.constant 0 : i32
    %scan3A_72 = arith.constant 5 : i32
    %scan3A_73 = arith.addi %scan3A_71, %scan3A_72 : i32
    %scan3A_74 = arith.constant 1 : i32
    %scan3A_75 = scf.for %scan3A_100 = %scan3A_71 to %scan3A_73 step %scan3A_74 iter_args(%scan3A_101 = %scan3A_70) -> (i32)  : i32 {
      %dma_start3A_102 = arith.constant 0 : i32
      %dma_start3A_103 = tpu.memref_slice %arg11[%scan3A_100, %dma_start3A_102] : memref<5x128xi32, #tpu.memory_space<vmem>> -> memref<1x128xi32, #tpu.memory_space<vmem>>
      %dma_start3A_104 = tpu.memref_squeeze %dma_start3A_103 : memref<1x128xi32, #tpu.memory_space<vmem>> -> memref<128xi32, #tpu.memory_space<vmem>>
      %dma_start3A_105 = arith.constant 0 : i32
      %dma_start3A_106 = arith.constant 0 : i32
      %dma_start3A_107 = tpu.memref_slice %arg8[%dma_start3A_105, %dma_start3A_106] : memref<10240x128xf32, #tpu.memory_space<vmem_shared>> -> memref<10240x128xf32, #tpu.memory_space<vmem_shared>>
      tpu.enqueue_indirect_dma source(%dma_start3A_107 : memref<10240x128xf32, #tpu.memory_space<vmem_shared>>) target(%arg12 : memref<128x128xf32, #tpu.memory_space<vmem>>) offsets(%dma_start3A_104 : memref<128xi32, #tpu.memory_space<vmem>>) semaphore(%arg14 : memref<!tpu.dma_semaphore, #tpu.memory_space<semaphore_mem>>)
      %dma_wait3A = arith.constant 0 : i32
      %dma_wait3A_108 = tpu.memref_slice %arg11[%scan3A_100, %dma_wait3A] : memref<5x128xi32, #tpu.memory_space<vmem>> -> memref<1x128xi32, #tpu.memory_space<vmem>>
      %dma_wait3A_109 = tpu.memref_squeeze %dma_wait3A_108 : memref<1x128xi32, #tpu.memory_space<vmem>> -> memref<128xi32, #tpu.memory_space<vmem>>
      %dma_wait3A_110 = arith.constant 0 : i32
      %dma_wait3A_111 = arith.constant 0 : i32
      %dma_wait3A_112 = tpu.memref_slice %arg8[%dma_wait3A_110, %dma_wait3A_111] : memref<10240x128xf32, #tpu.memory_space<vmem_shared>> -> memref<10240x128xf32, #tpu.memory_space<vmem_shared>>
      tpu.wait_indirect_dma semaphore(%arg14 : memref<!tpu.dma_semaphore, #tpu.memory_space<semaphore_mem>>) src(%dma_wait3A_112 : memref<10240x128xf32, #tpu.memory_space<vmem_shared>>) dst(%arg12 : memref<128x128xf32, #tpu.memory_space<vmem>>)
      %mul3A_113 = arith.constant 128 : i32
      %mul3A_114 = arith.muli %scan3A_100, %mul3A_113 : i32
      %add3A_115 = arith.addi %add3A_7, %mul3A_114 : i32
      "tpu.region"() ({
        %run_scoped3A = tpu.sem_alloc : memref<!tpu.dma_semaphore, #tpu.memory_space<semaphore_mem>>
        %dma_start3A_117 = arith.constant 0 : i32
        %dma_start3A_118 = tpu.memref_slice %arg6[%add3A_115, %dma_start3A_117] : memref<20480x128xf32, #tpu.memory_space<hbm>> -> memref<128x128xf32, #tpu.memory_space<hbm>>
        %dma_start3A_119 = arith.constant 0 : i32
        %dma_start3A_120 = tpu.memref_slice %arg6[%add3A_115, %dma_start3A_119] : memref<20480x128xf32, #tpu.memory_space<hbm>> -> memref<128x128xf32, #tpu.memory_space<hbm>>
        tpu.enqueue_dma source(%arg12 : memref<128x128xf32, #tpu.memory_space<vmem>>) target(%dma_start3A_120 : memref<128x128xf32, #tpu.memory_space<hbm>>) target_semaphore(%run_scoped3A : memref<!tpu.dma_semaphore, #tpu.memory_space<semaphore_mem>>)
        %dma_wait3A_121 = arith.constant 0 : i32
        %dma_wait3A_122 = tpu.memref_slice %arg6[%add3A_115, %dma_wait3A_121] : memref<20480x128xf32, #tpu.memory_space<hbm>> -> memref<128x128xf32, #tpu.memory_space<hbm>>
        %dma_wait3A_123 = arith.constant 0 : i32
        %dma_wait3A_124 = tpu.memref_slice %arg6[%add3A_115, %dma_wait3A_123] : memref<20480x128xf32, #tpu.memory_space<hbm>> -> memref<128x128xf32, #tpu.memory_space<hbm>>
        tpu.wait_dma2 semaphore(%run_scoped3A : memref<!tpu.dma_semaphore, #tpu.memory_space<semaphore_mem>>) src(%arg12 : memref<128x128xf32, #tpu.memory_space<vmem>>) dst(%dma_wait3A_124 : memref<128x128xf32, #tpu.memory_space<hbm>>)
        tpu.yield
      }) : () -> ()
      %scan3A_116 = arith.constant 0 : i32
      scf.yield %scan3A_116 : i32
    }
    %scan3A_76 = arith.constant 5 : i32
    %barrier3A_77 = arith.constant 0 : index
    tpu.barrier barrier_id(%barrier3A_77)
    %scan3A_78 = arith.constant 0 : i32
    %scan3A_79 = arith.constant 0 : i32
    %scan3A_80 = arith.constant 128 : i32
    %scan3A_81 = arith.addi %scan3A_79, %scan3A_80 : i32
    %scan3A_82 = arith.constant 1 : i32
    %scan3A_83 = scf.for %scan3A_100 = %scan3A_79 to %scan3A_81 step %scan3A_82 iter_args(%scan3A_101 = %scan3A_78) -> (i32)  : i32 {
      %swap3A = arith.index_cast %scan3A_100 : i32 to index
      %swap3A_102 = arith.constant 0 : index
      %swap3A_103 = tpu.vector_load %arg12[%swap3A, %swap3A_102] {strides = array<i32>} : memref<128x128xf32, #tpu.memory_space<vmem>>, vector<1x16xf32>,
      %swap3A_104 = vector.shape_cast %swap3A_103 : vector<1x16xf32> to vector<16xf32>
      %swap3A_105 = vector.shape_cast %broadcast_in_dim3A_10 : vector<16xf32> to vector<1x16xf32>
      tpu.vector_store %arg12[%swap3A, %swap3A_102], %swap3A_105 {strides = array<i32>} : memref<128x128xf32, #tpu.memory_space<vmem>>, vector<1x16xf32>,
      %swap3A_106 = arith.index_cast %scan3A_100 : i32 to index
      %swap3A_107 = arith.constant 16 : index
      %swap3A_108 = tpu.vector_load %arg12[%swap3A_106, %swap3A_107] {strides = array<i32>} : memref<128x128xf32, #tpu.memory_space<vmem>>, vector<1x16xf32>,
      %swap3A_109 = vector.shape_cast %swap3A_108 : vector<1x16xf32> to vector<16xf32>
      %swap3A_110 = vector.shape_cast %broadcast_in_dim3A_10 : vector<16xf32> to vector<1x16xf32>
      tpu.vector_store %arg12[%swap3A_106, %swap3A_107], %swap3A_110 {strides = array<i32>} : memref<128x128xf32, #tpu.memory_space<vmem>>, vector<1x16xf32>,
      %swap3A_111 = arith.index_cast %scan3A_100 : i32 to index
      %swap3A_112 = arith.constant 32 : index
      %swap3A_113 = tpu.vector_load %arg12[%swap3A_111, %swap3A_112] {strides = array<i32>} : memref<128x128xf32, #tpu.memory_space<vmem>>, vector<1x16xf32>,
      %swap3A_114 = vector.shape_cast %swap3A_113 : vector<1x16xf32> to vector<16xf32>
      %swap3A_115 = vector.shape_cast %broadcast_in_dim3A_10 : vector<16xf32> to vector<1x16xf32>
      tpu.vector_store %arg12[%swap3A_111, %swap3A_112], %swap3A_115 {strides = array<i32>} : memref<128x128xf32, #tpu.memory_space<vmem>>, vector<1x16xf32>,
      %swap3A_116 = arith.index_cast %scan3A_100 : i32 to index
      %swap3A_117 = arith.constant 48 : index
      %swap3A_118 = tpu.vector_load %arg12[%swap3A_116, %swap3A_117] {strides = array<i32>} : memref<128x128xf32, #tpu.memory_space<vmem>>, vector<1x16xf32>,
      %swap3A_119 = vector.shape_cast %swap3A_118 : vector<1x16xf32> to vector<16xf32>
      %swap3A_120 = vector.shape_cast %broadcast_in_dim3A_10 : vector<16xf32> to vector<1x16xf32>
      tpu.vector_store %arg12[%swap3A_116, %swap3A_117], %swap3A_120 {strides = array<i32>} : memref<128x128xf32, #tpu.memory_space<vmem>>, vector<1x16xf32>,
      %swap3A_121 = arith.index_cast %scan3A_100 : i32 to index
      %swap3A_122 = arith.constant 64 : index
      %swap3A_123 = tpu.vector_load %arg12[%swap3A_121, %swap3A_122] {strides = array<i32>} : memref<128x128xf32, #tpu.memory_space<vmem>>, vector<1x16xf32>,
      %swap3A_124 = vector.shape_cast %swap3A_123 : vector<1x16xf32> to vector<16xf32>
      %swap3A_125 = vector.shape_cast %broadcast_in_dim3A_10 : vector<16xf32> to vector<1x16xf32>
      tpu.vector_store %arg12[%swap3A_121, %swap3A_122], %swap3A_125 {strides = array<i32>} : memref<128x128xf32, #tpu.memory_space<vmem>>, vector<1x16xf32>,
      %swap3A_126 = arith.index_cast %scan3A_100 : i32 to index
      %swap3A_127 = arith.constant 80 : index
      %swap3A_128 = tpu.vector_load %arg12[%swap3A_126, %swap3A_127] {strides = array<i32>} : memref<128x128xf32, #tpu.memory_space<vmem>>, vector<1x16xf32>,
      %swap3A_129 = vector.shape_cast %swap3A_128 : vector<1x16xf32> to vector<16xf32>
      %swap3A_130 = vector.shape_cast %broadcast_in_dim3A_10 : vector<16xf32> to vector<1x16xf32>
      tpu.vector_store %arg12[%swap3A_126, %swap3A_127], %swap3A_130 {strides = array<i32>} : memref<128x128xf32, #tpu.memory_space<vmem>>, vector<1x16xf32>,
      %swap3A_131 = arith.index_cast %scan3A_100 : i32 to index
      %swap3A_132 = arith.constant 96 : index
      %swap3A_133 = tpu.vector_load %arg12[%swap3A_131, %swap3A_132] {strides = array<i32>} : memref<128x128xf32, #tpu.memory_space<vmem>>, vector<1x16xf32>,
      %swap3A_134 = vector.shape_cast %swap3A_133 : vector<1x16xf32> to vector<16xf32>
      %swap3A_135 = vector.shape_cast %broadcast_in_dim3A_10 : vector<16xf32> to vector<1x16xf32>
      tpu.vector_store %arg12[%swap3A_131, %swap3A_132], %swap3A_135 {strides = array<i32>} : memref<128x128xf32, #tpu.memory_space<vmem>>, vector<1x16xf32>,
      %swap3A_136 = arith.index_cast %scan3A_100 : i32 to index
      %swap3A_137 = arith.constant 112 : index
      %swap3A_138 = tpu.vector_load %arg12[%swap3A_136, %swap3A_137] {strides = array<i32>} : memref<128x128xf32, #tpu.memory_space<vmem>>, vector<1x16xf32>,
      %swap3A_139 = vector.shape_cast %swap3A_138 : vector<1x16xf32> to vector<16xf32>
      %swap3A_140 = vector.shape_cast %broadcast_in_dim3A_10 : vector<16xf32> to vector<1x16xf32>
      tpu.vector_store %arg12[%swap3A_136, %swap3A_137], %swap3A_140 {strides = array<i32>} : memref<128x128xf32, #tpu.memory_space<vmem>>, vector<1x16xf32>,
      %scan3A_141 = arith.constant 0 : i32
      scf.yield %scan3A_141 : i32
    }
    %scan3A_84 = arith.constant 128 : i32
    %scan3A_85 = arith.constant 0 : i32
    %scan3A_86 = arith.constant 0 : i32
    %scan3A_87 = arith.constant 10 : i32
    %scan3A_88 = arith.addi %scan3A_86, %scan3A_87 : i32
    %scan3A_89 = arith.constant 1 : i32
    %scan3A_90 = scf.for %scan3A_100 = %scan3A_86 to %scan3A_88 step %scan3A_89 iter_args(%scan3A_101 = %scan3A_85) -> (i32)  : i32 {
      %mul3A_102 = arith.constant 8 : i32
      %mul3A_103 = arith.muli %scan3A_100, %mul3A_102 : i32
      %add3A_104 = arith.constant 0 : i32
      %add3A_105 = arith.addi %mul3A_103, %add3A_104 : i32
      %dma_start3A_106 = arith.constant 0 : i32
      %dma_start3A_107 = tpu.memref_slice %arg9[%add3A_105, %dma_start3A_106] : memref<80x128xi32, #tpu.memory_space<vmem>> -> memref<1x128xi32, #tpu.memory_space<vmem>>
      %dma_start3A_108 = tpu.memref_squeeze %dma_start3A_107 : memref<1x128xi32, #tpu.memory_space<vmem>> -> memref<128xi32, #tpu.memory_space<vmem>>
      %dma_start3A_109 = arith.constant 0 : i32
      %dma_start3A_110 = arith.constant 0 : i32
      %dma_start3A_111 = tpu.memref_slice %arg8[%dma_start3A_109, %dma_start3A_110] : memref<10240x128xf32, #tpu.memory_space<vmem_shared>> -> memref<10240x128xf32, #tpu.memory_space<vmem_shared>>
      tpu.enqueue_indirect_dma source(%arg12 : memref<128x128xf32, #tpu.memory_space<vmem>>) target(%dma_start3A_111 : memref<10240x128xf32, #tpu.memory_space<vmem_shared>>) offsets(%dma_start3A_108 : memref<128xi32, #tpu.memory_space<vmem>>) semaphore(%arg16 : memref<!tpu.dma_semaphore, #tpu.memory_space<semaphore_mem>>) {add = true}
      %mul3A_112 = arith.constant 8 : i32
      %mul3A_113 = arith.muli %scan3A_100, %mul3A_112 : i32
      %add3A_114 = arith.constant 1 : i32
      %add3A_115 = arith.addi %mul3A_113, %add3A_114 : i32
      %dma_start3A_116 = arith.constant 0 : i32
      %dma_start3A_117 = tpu.memref_slice %arg9[%add3A_115, %dma_start3A_116] : memref<80x128xi32, #tpu.memory_space<vmem>> -> memref<1x128xi32, #tpu.memory_space<vmem>>
      %dma_start3A_118 = tpu.memref_squeeze %dma_start3A_117 : memref<1x128xi32, #tpu.memory_space<vmem>> -> memref<128xi32, #tpu.memory_space<vmem>>
      %dma_start3A_119 = arith.constant 0 : i32
      %dma_start3A_120 = arith.constant 0 : i32
      %dma_start3A_121 = tpu.memref_slice %arg8[%dma_start3A_119, %dma_start3A_120] : memref<10240x128xf32, #tpu.memory_space<vmem_shared>> -> memref<10240x128xf32, #tpu.memory_space<vmem_shared>>
      tpu.enqueue_indirect_dma source(%arg12 : memref<128x128xf32, #tpu.memory_space<vmem>>) target(%dma_start3A_121 : memref<10240x128xf32, #tpu.memory_space<vmem_shared>>) offsets(%dma_start3A_118 : memref<128xi32, #tpu.memory_space<vmem>>) semaphore(%arg16 : memref<!tpu.dma_semaphore, #tpu.memory_space<semaphore_mem>>) {add = true}
      %mul3A_122 = arith.constant 8 : i32
      %mul3A_123 = arith.muli %scan3A_100, %mul3A_122 : i32
      %add3A_124 = arith.constant 2 : i32
      %add3A_125 = arith.addi %mul3A_123, %add3A_124 : i32
      %dma_start3A_126 = arith.constant 0 : i32
      %dma_start3A_127 = tpu.memref_slice %arg9[%add3A_125, %dma_start3A_126] : memref<80x128xi32, #tpu.memory_space<vmem>> -> memref<1x128xi32, #tpu.memory_space<vmem>>
      %dma_start3A_128 = tpu.memref_squeeze %dma_start3A_127 : memref<1x128xi32, #tpu.memory_space<vmem>> -> memref<128xi32, #tpu.memory_space<vmem>>
      %dma_start3A_129 = arith.constant 0 : i32
      %dma_start3A_130 = arith.constant 0 : i32
      %dma_start3A_131 = tpu.memref_slice %arg8[%dma_start3A_129, %dma_start3A_130] : memref<10240x128xf32, #tpu.memory_space<vmem_shared>> -> memref<10240x128xf32, #tpu.memory_space<vmem_shared>>
      tpu.enqueue_indirect_dma source(%arg12 : memref<128x128xf32, #tpu.memory_space<vmem>>) target(%dma_start3A_131 : memref<10240x128xf32, #tpu.memory_space<vmem_shared>>) offsets(%dma_start3A_128 : memref<128xi32, #tpu.memory_space<vmem>>) semaphore(%arg16 : memref<!tpu.dma_semaphore, #tpu.memory_space<semaphore_mem>>) {add = true}
      %mul3A_132 = arith.constant 8 : i32
      %mul3A_133 = arith.muli %scan3A_100, %mul3A_132 : i32
      %add3A_134 = arith.constant 3 : i32
      %add3A_135 = arith.addi %mul3A_133, %add3A_134 : i32
      %dma_start3A_136 = arith.constant 0 : i32
      %dma_start3A_137 = tpu.memref_slice %arg9[%add3A_135, %dma_start3A_136] : memref<80x128xi32, #tpu.memory_space<vmem>> -> memref<1x128xi32, #tpu.memory_space<vmem>>
      %dma_start3A_138 = tpu.memref_squeeze %dma_start3A_137 : memref<1x128xi32, #tpu.memory_space<vmem>> -> memref<128xi32, #tpu.memory_space<vmem>>
      %dma_start3A_139 = arith.constant 0 : i32
      %dma_start3A_140 = arith.constant 0 : i32
      %dma_start3A_141 = tpu.memref_slice %arg8[%dma_start3A_139, %dma_start3A_140] : memref<10240x128xf32, #tpu.memory_space<vmem_shared>> -> memref<10240x128xf32, #tpu.memory_space<vmem_shared>>
      tpu.enqueue_indirect_dma source(%arg12 : memref<128x128xf32, #tpu.memory_space<vmem>>) target(%dma_start3A_141 : memref<10240x128xf32, #tpu.memory_space<vmem_shared>>) offsets(%dma_start3A_138 : memref<128xi32, #tpu.memory_space<vmem>>) semaphore(%arg16 : memref<!tpu.dma_semaphore, #tpu.memory_space<semaphore_mem>>) {add = true}
      %mul3A_142 = arith.constant 8 : i32
      %mul3A_143 = arith.muli %scan3A_100, %mul3A_142 : i32
      %add3A_144 = arith.constant 4 : i32
      %add3A_145 = arith.addi %mul3A_143, %add3A_144 : i32
      %dma_start3A_146 = arith.constant 0 : i32
      %dma_start3A_147 = tpu.memref_slice %arg9[%add3A_145, %dma_start3A_146] : memref<80x128xi32, #tpu.memory_space<vmem>> -> memref<1x128xi32, #tpu.memory_space<vmem>>
      %dma_start3A_148 = tpu.memref_squeeze %dma_start3A_147 : memref<1x128xi32, #tpu.memory_space<vmem>> -> memref<128xi32, #tpu.memory_space<vmem>>
      %dma_start3A_149 = arith.constant 0 : i32
      %dma_start3A_150 = arith.constant 0 : i32
      %dma_start3A_151 = tpu.memref_slice %arg8[%dma_start3A_149, %dma_start3A_150] : memref<10240x128xf32, #tpu.memory_space<vmem_shared>> -> memref<10240x128xf32, #tpu.memory_space<vmem_shared>>
      tpu.enqueue_indirect_dma source(%arg12 : memref<128x128xf32, #tpu.memory_space<vmem>>) target(%dma_start3A_151 : memref<10240x128xf32, #tpu.memory_space<vmem_shared>>) offsets(%dma_start3A_148 : memref<128xi32, #tpu.memory_space<vmem>>) semaphore(%arg16 : memref<!tpu.dma_semaphore, #tpu.memory_space<semaphore_mem>>) {add = true}
      %mul3A_152 = arith.constant 8 : i32
      %mul3A_153 = arith.muli %scan3A_100, %mul3A_152 : i32
      %add3A_154 = arith.constant 5 : i32
      %add3A_155 = arith.addi %mul3A_153, %add3A_154 : i32
      %dma_start3A_156 = arith.constant 0 : i32
      %dma_start3A_157 = tpu.memref_slice %arg9[%add3A_155, %dma_start3A_156] : memref<80x128xi32, #tpu.memory_space<vmem>> -> memref<1x128xi32, #tpu.memory_space<vmem>>
      %dma_start3A_158 = tpu.memref_squeeze %dma_start3A_157 : memref<1x128xi32, #tpu.memory_space<vmem>> -> memref<128xi32, #tpu.memory_space<vmem>>
      %dma_start3A_159 = arith.constant 0 : i32
      %dma_start3A_160 = arith.constant 0 : i32
      %dma_start3A_161 = tpu.memref_slice %arg8[%dma_start3A_159, %dma_start3A_160] : memref<10240x128xf32, #tpu.memory_space<vmem_shared>> -> memref<10240x128xf32, #tpu.memory_space<vmem_shared>>
      tpu.enqueue_indirect_dma source(%arg12 : memref<128x128xf32, #tpu.memory_space<vmem>>) target(%dma_start3A_161 : memref<10240x128xf32, #tpu.memory_space<vmem_shared>>) offsets(%dma_start3A_158 : memref<128xi32, #tpu.memory_space<vmem>>) semaphore(%arg16 : memref<!tpu.dma_semaphore, #tpu.memory_space<semaphore_mem>>) {add = true}
      %mul3A_162 = arith.constant 8 : i32
      %mul3A_163 = arith.muli %scan3A_100, %mul3A_162 : i32
      %add3A_164 = arith.constant 6 : i32
      %add3A_165 = arith.addi %mul3A_163, %add3A_164 : i32
      %dma_start3A_166 = arith.constant 0 : i32
      %dma_start3A_167 = tpu.memref_slice %arg9[%add3A_165, %dma_start3A_166] : memref<80x128xi32, #tpu.memory_space<vmem>> -> memref<1x128xi32, #tpu.memory_space<vmem>>
      %dma_start3A_168 = tpu.memref_squeeze %dma_start3A_167 : memref<1x128xi32, #tpu.memory_space<vmem>> -> memref<128xi32, #tpu.memory_space<vmem>>
      %dma_start3A_169 = arith.constant 0 : i32
      %dma_start3A_170 = arith.constant 0 : i32
      %dma_start3A_171 = tpu.memref_slice %arg8[%dma_start3A_169, %dma_start3A_170] : memref<10240x128xf32, #tpu.memory_space<vmem_shared>> -> memref<10240x128xf32, #tpu.memory_space<vmem_shared>>
      tpu.enqueue_indirect_dma source(%arg12 : memref<128x128xf32, #tpu.memory_space<vmem>>) target(%dma_start3A_171 : memref<10240x128xf32, #tpu.memory_space<vmem_shared>>) offsets(%dma_start3A_168 : memref<128xi32, #tpu.memory_space<vmem>>) semaphore(%arg16 : memref<!tpu.dma_semaphore, #tpu.memory_space<semaphore_mem>>) {add = true}
      %mul3A_172 = arith.constant 8 : i32
      %mul3A_173 = arith.muli %scan3A_100, %mul3A_172 : i32
      %add3A_174 = arith.constant 7 : i32
      %add3A_175 = arith.addi %mul3A_173, %add3A_174 : i32
      %dma_start3A_176 = arith.constant 0 : i32
      %dma_start3A_177 = tpu.memref_slice %arg9[%add3A_175, %dma_start3A_176] : memref<80x128xi32, #tpu.memory_space<vmem>> -> memref<1x128xi32, #tpu.memory_space<vmem>>
      %dma_start3A_178 = tpu.memref_squeeze %dma_start3A_177 : memref<1x128xi32, #tpu.memory_space<vmem>> -> memref<128xi32, #tpu.memory_space<vmem>>
      %dma_start3A_179 = arith.constant 0 : i32
      %dma_start3A_180 = arith.constant 0 : i32
      %dma_start3A_181 = tpu.memref_slice %arg8[%dma_start3A_179, %dma_start3A_180] : memref<10240x128xf32, #tpu.memory_space<vmem_shared>> -> memref<10240x128xf32, #tpu.memory_space<vmem_shared>>
      tpu.enqueue_indirect_dma source(%arg12 : memref<128x128xf32, #tpu.memory_space<vmem>>) target(%dma_start3A_181 : memref<10240x128xf32, #tpu.memory_space<vmem_shared>>) offsets(%dma_start3A_178 : memref<128xi32, #tpu.memory_space<vmem>>) semaphore(%arg16 : memref<!tpu.dma_semaphore, #tpu.memory_space<semaphore_mem>>) {add = true}
      %mul3A_182 = arith.constant 8 : i32
      %mul3A_183 = arith.muli %scan3A_100, %mul3A_182 : i32
      %add3A_184 = arith.constant 0 : i32
      %add3A_185 = arith.addi %mul3A_183, %add3A_184 : i32
      %dma_wait3A = arith.constant 0 : i32
      %dma_wait3A_186 = tpu.memref_slice %arg9[%add3A_185, %dma_wait3A] : memref<80x128xi32, #tpu.memory_space<vmem>> -> memref<1x128xi32, #tpu.memory_space<vmem>>
      %dma_wait3A_187 = tpu.memref_squeeze %dma_wait3A_186 : memref<1x128xi32, #tpu.memory_space<vmem>> -> memref<128xi32, #tpu.memory_space<vmem>>
      %dma_wait3A_188 = arith.constant 0 : i32
      %dma_wait3A_189 = arith.constant 0 : i32
      %dma_wait3A_190 = tpu.memref_slice %arg8[%dma_wait3A_188, %dma_wait3A_189] : memref<10240x128xf32, #tpu.memory_space<vmem_shared>> -> memref<10240x128xf32, #tpu.memory_space<vmem_shared>>
      tpu.wait_indirect_dma semaphore(%arg16 : memref<!tpu.dma_semaphore, #tpu.memory_space<semaphore_mem>>) src(%arg12 : memref<128x128xf32, #tpu.memory_space<vmem>>) dst(%dma_wait3A_190 : memref<10240x128xf32, #tpu.memory_space<vmem_shared>>)
      %mul3A_191 = arith.constant 8 : i32
      %mul3A_192 = arith.muli %scan3A_100, %mul3A_191 : i32
      %add3A_193 = arith.constant 1 : i32
      %add3A_194 = arith.addi %mul3A_192, %add3A_193 : i32
      %dma_wait3A_195 = arith.constant 0 : i32
      %dma_wait3A_196 = tpu.memref_slice %arg9[%add3A_194, %dma_wait3A_195] : memref<80x128xi32, #tpu.memory_space<vmem>> -> memref<1x128xi32, #tpu.memory_space<vmem>>
      %dma_wait3A_197 = tpu.memref_squeeze %dma_wait3A_196 : memref<1x128xi32, #tpu.memory_space<vmem>> -> memref<128xi32, #tpu.memory_space<vmem>>
      %dma_wait3A_198 = arith.constant 0 : i32
      %dma_wait3A_199 = arith.constant 0 : i32
      %dma_wait3A_200 = tpu.memref_slice %arg8[%dma_wait3A_198, %dma_wait3A_199] : memref<10240x128xf32, #tpu.memory_space<vmem_shared>> -> memref<10240x128xf32, #tpu.memory_space<vmem_shared>>
      tpu.wait_indirect_dma semaphore(%arg16 : memref<!tpu.dma_semaphore, #tpu.memory_space<semaphore_mem>>) src(%arg12 : memref<128x128xf32, #tpu.memory_space<vmem>>) dst(%dma_wait3A_200 : memref<10240x128xf32, #tpu.memory_space<vmem_shared>>)
      %mul3A_201 = arith.constant 8 : i32
      %mul3A_202 = arith.muli %scan3A_100, %mul3A_201 : i32
      %add3A_203 = arith.constant 2 : i32
      %add3A_204 = arith.addi %mul3A_202, %add3A_203 : i32
      %dma_wait3A_205 = arith.constant 0 : i32
      %dma_wait3A_206 = tpu.memref_slice %arg9[%add3A_204, %dma_wait3A_205] : memref<80x128xi32, #tpu.memory_space<vmem>> -> memref<1x128xi32, #tpu.memory_space<vmem>>
      %dma_wait3A_207 = tpu.memref_squeeze %dma_wait3A_206 : memref<1x128xi32, #tpu.memory_space<vmem>> -> memref<128xi32, #tpu.memory_space<vmem>>
      %dma_wait3A_208 = arith.constant 0 : i32
      %dma_wait3A_209 = arith.constant 0 : i32
      %dma_wait3A_210 = tpu.memref_slice %arg8[%dma_wait3A_208, %dma_wait3A_209] : memref<10240x128xf32, #tpu.memory_space<vmem_shared>> -> memref<10240x128xf32, #tpu.memory_space<vmem_shared>>
      tpu.wait_indirect_dma semaphore(%arg16 : memref<!tpu.dma_semaphore, #tpu.memory_space<semaphore_mem>>) src(%arg12 : memref<128x128xf32, #tpu.memory_space<vmem>>) dst(%dma_wait3A_210 : memref<10240x128xf32, #tpu.memory_space<vmem_shared>>)
      %mul3A_211 = arith.constant 8 : i32
      %mul3A_212 = arith.muli %scan3A_100, %mul3A_211 : i32
      %add3A_213 = arith.constant 3 : i32
      %add3A_214 = arith.addi %mul3A_212, %add3A_213 : i32
      %dma_wait3A_215 = arith.constant 0 : i32
      %dma_wait3A_216 = tpu.memref_slice %arg9[%add3A_214, %dma_wait3A_215] : memref<80x128xi32, #tpu.memory_space<vmem>> -> memref<1x128xi32, #tpu.memory_space<vmem>>
      %dma_wait3A_217 = tpu.memref_squeeze %dma_wait3A_216 : memref<1x128xi32, #tpu.memory_space<vmem>> -> memref<128xi32, #tpu.memory_space<vmem>>
      %dma_wait3A_218 = arith.constant 0 : i32
      %dma_wait3A_219 = arith.constant 0 : i32
      %dma_wait3A_220 = tpu.memref_slice %arg8[%dma_wait3A_218, %dma_wait3A_219] : memref<10240x128xf32, #tpu.memory_space<vmem_shared>> -> memref<10240x128xf32, #tpu.memory_space<vmem_shared>>
      tpu.wait_indirect_dma semaphore(%arg16 : memref<!tpu.dma_semaphore, #tpu.memory_space<semaphore_mem>>) src(%arg12 : memref<128x128xf32, #tpu.memory_space<vmem>>) dst(%dma_wait3A_220 : memref<10240x128xf32, #tpu.memory_space<vmem_shared>>)
      %mul3A_221 = arith.constant 8 : i32
      %mul3A_222 = arith.muli %scan3A_100, %mul3A_221 : i32
      %add3A_223 = arith.constant 4 : i32
      %add3A_224 = arith.addi %mul3A_222, %add3A_223 : i32
      %dma_wait3A_225 = arith.constant 0 : i32
      %dma_wait3A_226 = tpu.memref_slice %arg9[%add3A_224, %dma_wait3A_225] : memref<80x128xi32, #tpu.memory_space<vmem>> -> memref<1x128xi32, #tpu.memory_space<vmem>>
      %dma_wait3A_227 = tpu.memref_squeeze %dma_wait3A_226 : memref<1x128xi32, #tpu.memory_space<vmem>> -> memref<128xi32, #tpu.memory_space<vmem>>
      %dma_wait3A_228 = arith.constant 0 : i32
      %dma_wait3A_229 = arith.constant 0 : i32
      %dma_wait3A_230 = tpu.memref_slice %arg8[%dma_wait3A_228, %dma_wait3A_229] : memref<10240x128xf32, #tpu.memory_space<vmem_shared>> -> memref<10240x128xf32, #tpu.memory_space<vmem_shared>>
      tpu.wait_indirect_dma semaphore(%arg16 : memref<!tpu.dma_semaphore, #tpu.memory_space<semaphore_mem>>) src(%arg12 : memref<128x128xf32, #tpu.memory_space<vmem>>) dst(%dma_wait3A_230 : memref<10240x128xf32, #tpu.memory_space<vmem_shared>>)
      %mul3A_231 = arith.constant 8 : i32
      %mul3A_232 = arith.muli %scan3A_100, %mul3A_231 : i32
      %add3A_233 = arith.constant 5 : i32
      %add3A_234 = arith.addi %mul3A_232, %add3A_233 : i32
      %dma_wait3A_235 = arith.constant 0 : i32
      %dma_wait3A_236 = tpu.memref_slice %arg9[%add3A_234, %dma_wait3A_235] : memref<80x128xi32, #tpu.memory_space<vmem>> -> memref<1x128xi32, #tpu.memory_space<vmem>>
      %dma_wait3A_237 = tpu.memref_squeeze %dma_wait3A_236 : memref<1x128xi32, #tpu.memory_space<vmem>> -> memref<128xi32, #tpu.memory_space<vmem>>
      %dma_wait3A_238 = arith.constant 0 : i32
      %dma_wait3A_239 = arith.constant 0 : i32
      %dma_wait3A_240 = tpu.memref_slice %arg8[%dma_wait3A_238, %dma_wait3A_239] : memref<10240x128xf32, #tpu.memory_space<vmem_shared>> -> memref<10240x128xf32, #tpu.memory_space<vmem_shared>>
      tpu.wait_indirect_dma semaphore(%arg16 : memref<!tpu.dma_semaphore, #tpu.memory_space<semaphore_mem>>) src(%arg12 : memref<128x128xf32, #tpu.memory_space<vmem>>) dst(%dma_wait3A_240 : memref<10240x128xf32, #tpu.memory_space<vmem_shared>>)
      %mul3A_241 = arith.constant 8 : i32
      %mul3A_242 = arith.muli %scan3A_100, %mul3A_241 : i32
      %add3A_243 = arith.constant 6 : i32
      %add3A_244 = arith.addi %mul3A_242, %add3A_243 : i32
      %dma_wait3A_245 = arith.constant 0 : i32
      %dma_wait3A_246 = tpu.memref_slice %arg9[%add3A_244, %dma_wait3A_245] : memref<80x128xi32, #tpu.memory_space<vmem>> -> memref<1x128xi32, #tpu.memory_space<vmem>>
      %dma_wait3A_247 = tpu.memref_squeeze %dma_wait3A_246 : memref<1x128xi32, #tpu.memory_space<vmem>> -> memref<128xi32, #tpu.memory_space<vmem>>
      %dma_wait3A_248 = arith.constant 0 : i32
      %dma_wait3A_249 = arith.constant 0 : i32
      %dma_wait3A_250 = tpu.memref_slice %arg8[%dma_wait3A_248, %dma_wait3A_249] : memref<10240x128xf32, #tpu.memory_space<vmem_shared>> -> memref<10240x128xf32, #tpu.memory_space<vmem_shared>>
      tpu.wait_indirect_dma semaphore(%arg16 : memref<!tpu.dma_semaphore, #tpu.memory_space<semaphore_mem>>) src(%arg12 : memref<128x128xf32, #tpu.memory_space<vmem>>) dst(%dma_wait3A_250 : memref<10240x128xf32, #tpu.memory_space<vmem_shared>>)
      %mul3A_251 = arith.constant 8 : i32
      %mul3A_252 = arith.muli %scan3A_100, %mul3A_251 : i32
      %add3A_253 = arith.constant 7 : i32
      %add3A_254 = arith.addi %mul3A_252, %add3A_253 : i32
      %dma_wait3A_255 = arith.constant 0 : i32
      %dma_wait3A_256 = tpu.memref_slice %arg9[%add3A_254, %dma_wait3A_255] : memref<80x128xi32, #tpu.memory_space<vmem>> -> memref<1x128xi32, #tpu.memory_space<vmem>>
      %dma_wait3A_257 = tpu.memref_squeeze %dma_wait3A_256 : memref<1x128xi32, #tpu.memory_space<vmem>> -> memref<128xi32, #tpu.memory_space<vmem>>
      %dma_wait3A_258 = arith.constant 0 : i32
      %dma_wait3A_259 = arith.constant 0 : i32
      %dma_wait3A_260 = tpu.memref_slice %arg8[%dma_wait3A_258, %dma_wait3A_259] : memref<10240x128xf32, #tpu.memory_space<vmem_shared>> -> memref<10240x128xf32, #tpu.memory_space<vmem_shared>>
      tpu.wait_indirect_dma semaphore(%arg16 : memref<!tpu.dma_semaphore, #tpu.memory_space<semaphore_mem>>) src(%arg12 : memref<128x128xf32, #tpu.memory_space<vmem>>) dst(%dma_wait3A_260 : memref<10240x128xf32, #tpu.memory_space<vmem_shared>>)
      %scan3A_261 = arith.constant 0 : i32
      scf.yield %scan3A_261 : i32
    }
    %scan3A_91 = arith.constant 10 : i32
    %barrier3A_92 = arith.constant 0 : index
    tpu.barrier barrier_id(%barrier3A_92)
    %scan3A_93 = arith.constant 0 : i32
    %scan3A_94 = arith.constant 0 : i32
    %scan3A_95 = arith.constant 5 : i32
    %scan3A_96 = arith.addi %scan3A_94, %scan3A_95 : i32
    %scan3A_97 = arith.constant 1 : i32
    %scan3A_98 = scf.for %scan3A_100 = %scan3A_94 to %scan3A_96 step %scan3A_97 iter_args(%scan3A_101 = %scan3A_93) -> (i32)  : i32 {
      %dma_start3A_102 = arith.constant 0 : i32
      %dma_start3A_103 = tpu.memref_slice %arg11[%scan3A_100, %dma_start3A_102] : memref<5x128xi32, #tpu.memory_space<vmem>> -> memref<1x128xi32, #tpu.memory_space<vmem>>
      %dma_start3A_104 = tpu.memref_squeeze %dma_start3A_103 : memref<1x128xi32, #tpu.memory_space<vmem>> -> memref<128xi32, #tpu.memory_space<vmem>>
      %dma_start3A_105 = arith.constant 0 : i32
      %dma_start3A_106 = arith.constant 0 : i32
      %dma_start3A_107 = tpu.memref_slice %arg8[%dma_start3A_105, %dma_start3A_106] : memref<10240x128xf32, #tpu.memory_space<vmem_shared>> -> memref<10240x128xf32, #tpu.memory_space<vmem_shared>>
      tpu.enqueue_indirect_dma source(%dma_start3A_107 : memref<10240x128xf32, #tpu.memory_space<vmem_shared>>) target(%arg12 : memref<128x128xf32, #tpu.memory_space<vmem>>) offsets(%dma_start3A_104 : memref<128xi32, #tpu.memory_space<vmem>>) semaphore(%arg14 : memref<!tpu.dma_semaphore, #tpu.memory_space<semaphore_mem>>)
      %dma_wait3A = arith.constant 0 : i32
      %dma_wait3A_108 = tpu.memref_slice %arg11[%scan3A_100, %dma_wait3A] : memref<5x128xi32, #tpu.memory_space<vmem>> -> memref<1x128xi32, #tpu.memory_space<vmem>>
      %dma_wait3A_109 = tpu.memref_squeeze %dma_wait3A_108 : memref<1x128xi32, #tpu.memory_space<vmem>> -> memref<128xi32, #tpu.memory_space<vmem>>
      %dma_wait3A_110 = arith.constant 0 : i32
      %dma_wait3A_111 = arith.constant 0 : i32
      %dma_wait3A_112 = tpu.memref_slice %arg8[%dma_wait3A_110, %dma_wait3A_111] : memref<10240x128xf32, #tpu.memory_space<vmem_shared>> -> memref<10240x128xf32, #tpu.memory_space<vmem_shared>>
      tpu.wait_indirect_dma semaphore(%arg14 : memref<!tpu.dma_semaphore, #tpu.memory_space<semaphore_mem>>) src(%dma_wait3A_112 : memref<10240x128xf32, #tpu.memory_space<vmem_shared>>) dst(%arg12 : memref<128x128xf32, #tpu.memory_space<vmem>>)
      %mul3A_113 = arith.constant 128 : i32
      %mul3A_114 = arith.muli %scan3A_100, %mul3A_113 : i32
      %add3A_115 = arith.addi %add3A_7, %mul3A_114 : i32
      "tpu.region"() ({
        %run_scoped3A = tpu.sem_alloc : memref<!tpu.dma_semaphore, #tpu.memory_space<semaphore_mem>>
        %dma_start3A_117 = arith.constant 0 : i32
        %dma_start3A_118 = tpu.memref_slice %arg7[%add3A_115, %dma_start3A_117] : memref<20480x128xf32, #tpu.memory_space<hbm>> -> memref<128x128xf32, #tpu.memory_space<hbm>>
        %dma_start3A_119 = arith.constant 0 : i32
        %dma_start3A_120 = tpu.memref_slice %arg7[%add3A_115, %dma_start3A_119] : memref<20480x128xf32, #tpu.memory_space<hbm>> -> memref<128x128xf32, #tpu.memory_space<hbm>>
        tpu.enqueue_dma source(%arg12 : memref<128x128xf32, #tpu.memory_space<vmem>>) target(%dma_start3A_120 : memref<128x128xf32, #tpu.memory_space<hbm>>) target_semaphore(%run_scoped3A : memref<!tpu.dma_semaphore, #tpu.memory_space<semaphore_mem>>)
        %dma_wait3A_121 = arith.constant 0 : i32
        %dma_wait3A_122 = tpu.memref_slice %arg7[%add3A_115, %dma_wait3A_121] : memref<20480x128xf32, #tpu.memory_space<hbm>> -> memref<128x128xf32, #tpu.memory_space<hbm>>
        %dma_wait3A_123 = arith.constant 0 : i32
        %dma_wait3A_124 = tpu.memref_slice %arg7[%add3A_115, %dma_wait3A_123] : memref<20480x128xf32, #tpu.memory_space<hbm>> -> memref<128x128xf32, #tpu.memory_space<hbm>>
        tpu.wait_dma2 semaphore(%run_scoped3A : memref<!tpu.dma_semaphore, #tpu.memory_space<semaphore_mem>>) src(%arg12 : memref<128x128xf32, #tpu.memory_space<vmem>>) dst(%dma_wait3A_124 : memref<128x128xf32, #tpu.memory_space<hbm>>)
        tpu.yield
      }) : () -> ()
      %scan3A_116 = arith.constant 0 : i32
      scf.yield %scan3A_116 : i32
    }
    %scan3A_99 = arith.constant 5 : i32
    return
  }
}

module attributes {stable_mosaic.version = 14 : i64} {
  func.func @_norm_body(%arg0: i32, %arg1: memref<1024x128xf32, #tpu.memory_space<vmem>>, %arg2: memref<1x128xf32, #tpu.memory_space<vmem>>, %arg3: memref<1x128xf32, #tpu.memory_space<vmem>>, %arg4: memref<1x128xf32, #tpu.memory_space<vmem>>, %arg5: memref<1x128xf32, #tpu.memory_space<vmem>>, %arg6: memref<1024x128xf32, #tpu.memory_space<vmem>>) attributes {dimension_semantics = [#tpu.dimension_semantics<arbitrary>], iteration_bounds = array<i64: 10>, scalar_prefetch = 0 : i64, scratch_operands = 0 : i64, tpu.core_type = #tpu.core_type<tc>, window_params = [{transform_indices = @transform_0, window_bounds = array<i64: 1024, 128>}, {pipeline_mode = #tpu.pipeline_mode<synchronous>, transform_indices = @transform_1, window_bounds = array<i64: 1, 128>}, {pipeline_mode = #tpu.pipeline_mode<synchronous>, transform_indices = @transform_2, window_bounds = array<i64: 1, 128>}, {pipeline_mode = #tpu.pipeline_mode<synchronous>, transform_indices = @transform_3, window_bounds = array<i64: 1, 128>}, {pipeline_mode = #tpu.pipeline_mode<synchronous>, transform_indices = @transform_4, window_bounds = array<i64: 1, 128>}, {transform_indices = @transform_5, window_bounds = array<i64: 1024, 128>}]} {
    %get3A = arith.constant 0 : index
    %get3A_0 = arith.constant 0 : index
    %get3A_1 = vector.load %arg2[%get3A, %get3A_0] : memref<1x128xf32, #tpu.memory_space<vmem>>, vector<1x128xf32>
    %mul3A = arith.constant 9.99999974E-5 : f32
    %mul3A_2 = vector.broadcast %mul3A : f32 to vector<1x128xf32>
    %mul3A_3 = arith.mulf %get3A_1, %mul3A_2 : vector<1x128xf32>
    %get3A_4 = arith.constant 0 : index
    %get3A_5 = arith.constant 0 : index
    %get3A_6 = vector.load %arg3[%get3A_4, %get3A_5] : memref<1x128xf32, #tpu.memory_space<vmem>>, vector<1x128xf32>
    %mul3A_7 = arith.constant 9.99999974E-5 : f32
    %mul3A_8 = vector.broadcast %mul3A_7 : f32 to vector<1x128xf32>
    %mul3A_9 = arith.mulf %get3A_6, %mul3A_8 : vector<1x128xf32>
    %mul3A_10 = arith.mulf %mul3A_3, %mul3A_3 : vector<1x128xf32>
    %sub3A = arith.subf %mul3A_9, %mul3A_10 : vector<1x128xf32>
    %add3A = arith.constant 9.99999974E-6 : f32
    %add3A_11 = vector.broadcast %add3A : f32 to vector<1x128xf32>
    %add3A_12 = arith.addf %sub3A, %add3A_11 : vector<1x128xf32>
    %rsqrt3A = math.rsqrt %add3A_12 : vector<1x128xf32>
    %get3A_13 = arith.constant 0 : index
    %get3A_14 = arith.constant 0 : index
    %get3A_15 = vector.load %arg1[%get3A_13, %get3A_14] : memref<1024x128xf32, #tpu.memory_space<vmem>>, vector<1024x128xf32>
    %sub3A_16 = vector.broadcast %mul3A_3 : vector<1x128xf32> to vector<1024x128xf32>
    %sub3A_17 = arith.subf %get3A_15, %sub3A_16 : vector<1024x128xf32>
    %mul3A_18 = vector.broadcast %rsqrt3A : vector<1x128xf32> to vector<1024x128xf32>
    %mul3A_19 = arith.mulf %sub3A_17, %mul3A_18 : vector<1024x128xf32>
    %get3A_20 = arith.constant 0 : index
    %get3A_21 = arith.constant 0 : index
    %get3A_22 = vector.load %arg4[%get3A_20, %get3A_21] : memref<1x128xf32, #tpu.memory_space<vmem>>, vector<1x128xf32>
    %mul3A_23 = vector.broadcast %get3A_22 : vector<1x128xf32> to vector<1024x128xf32>
    %mul3A_24 = arith.mulf %mul3A_19, %mul3A_23 : vector<1024x128xf32>
    %get3A_25 = arith.constant 0 : index
    %get3A_26 = arith.constant 0 : index
    %get3A_27 = vector.load %arg5[%get3A_25, %get3A_26] : memref<1x128xf32, #tpu.memory_space<vmem>>, vector<1x128xf32>
    %add3A_28 = vector.broadcast %get3A_27 : vector<1x128xf32> to vector<1024x128xf32>
    %add3A_29 = arith.addf %mul3A_24, %add3A_28 : vector<1024x128xf32>
    %max3A = arith.constant 0.000000e+00 : f32
    %max3A_30 = vector.broadcast %max3A : f32 to vector<1024x128xf32>
    %max3A_31 = arith.maximumf %add3A_29, %max3A_30 : vector<1024x128xf32>
    %swap3A = arith.constant 0 : index
    %swap3A_32 = arith.constant 0 : index
    %swap3A_33 = vector.load %arg6[%swap3A, %swap3A_32] : memref<1024x128xf32, #tpu.memory_space<vmem>>, vector<1024x128xf32>
    tpu.vector_store %arg6[%swap3A, %swap3A_32], %max3A_31 {strides = array<i32>} : memref<1024x128xf32, #tpu.memory_space<vmem>>, vector<1024x128xf32>,
    return
  }
  func.func @transform_0(%arg0: i32) -> (i32, i32) {
    %c0_i32 = arith.constant 0 : i32
    %c0_i32_0 = arith.constant 0 : i32
    return %arg0, %c0_i32 : i32, i32
  }
  func.func @transform_1(%arg0: i32) -> (i32, i32) {
    %c0_i32 = arith.constant 0 : i32
    %c0_i32_0 = arith.constant 0 : i32
    %c0_i32_1 = arith.constant 0 : i32
    return %c0_i32, %c0_i32_0 : i32, i32
  }
  func.func @transform_2(%arg0: i32) -> (i32, i32) {
    %c0_i32 = arith.constant 0 : i32
    %c0_i32_0 = arith.constant 0 : i32
    %c0_i32_1 = arith.constant 0 : i32
    return %c0_i32, %c0_i32_0 : i32, i32
  }
  func.func @transform_3(%arg0: i32) -> (i32, i32) {
    %c0_i32 = arith.constant 0 : i32
    %c0_i32_0 = arith.constant 0 : i32
    %c0_i32_1 = arith.constant 0 : i32
    return %c0_i32, %c0_i32_0 : i32, i32
  }
  func.func @transform_4(%arg0: i32) -> (i32, i32) {
    %c0_i32 = arith.constant 0 : i32
    %c0_i32_0 = arith.constant 0 : i32
    %c0_i32_1 = arith.constant 0 : i32
    return %c0_i32, %c0_i32_0 : i32, i32
  }
  func.func @transform_5(%arg0: i32) -> (i32, i32) {
    %c0_i32 = arith.constant 0 : i32
    %c0_i32_0 = arith.constant 0 : i32
    return %arg0, %c0_i32 : i32, i32
  }
}

module attributes {stable_mosaic.version = 14 : i64} {
  func.func @_lin_body(%arg0: i32, %arg1: memref<1024x128xf32, #tpu.memory_space<vmem>>, %arg2: memref<2x1024x128xf32, #tpu.memory_space<vmem>>, %arg3: memref<2x1024x128xf32, #tpu.memory_space<vmem>>, %arg4: memref<128x128xf32, #tpu.memory_space<vmem>>, %arg5: memref<1x128xf32, #tpu.memory_space<vmem>>, %arg6: memref<1024x128xf32, #tpu.memory_space<vmem>>, %arg7: memref<1x128xf32, #tpu.memory_space<vmem>>, %arg8: memref<1x128xf32, #tpu.memory_space<vmem>>, %arg9: memref<1x128xf32, #tpu.memory_space<vmem>>, %arg10: memref<1x128xf32, #tpu.memory_space<vmem>>) attributes {dimension_semantics = [#tpu.dimension_semantics<arbitrary>], iteration_bounds = array<i64: 10>, scalar_prefetch = 0 : i64, scratch_operands = 2 : i64, tpu.core_type = #tpu.core_type<tc>, window_params = [{transform_indices = @transform_0, window_bounds = array<i64: 1024, 128>}, {transform_indices = @transform_1, window_bounds = array<i64: 2, 1024, 128>}, {transform_indices = @transform_2, window_bounds = array<i64: 2, 1024, 128>}, {pipeline_mode = #tpu.pipeline_mode<synchronous>, transform_indices = @transform_3, window_bounds = array<i64: 128, 128>}, {pipeline_mode = #tpu.pipeline_mode<synchronous>, transform_indices = @transform_4, window_bounds = array<i64: 1, 128>}, {transform_indices = @transform_5, window_bounds = array<i64: 1024, 128>}, {pipeline_mode = #tpu.pipeline_mode<synchronous>, transform_indices = @transform_6, window_bounds = array<i64: 1, 128>}, {pipeline_mode = #tpu.pipeline_mode<synchronous>, transform_indices = @transform_7, window_bounds = array<i64: 1, 128>}]} {
    %get3A = arith.constant 0 : index
    %get3A_0 = arith.constant 0 : index
    %get3A_1 = arith.constant 0 : index
    %get3A_2 = vector.load %arg2[%get3A, %get3A_0, %get3A_1] : memref<2x1024x128xf32, #tpu.memory_space<vmem>>, vector<1x1024x128xf32>
    %get3A_3 = vector.shape_cast %get3A_2 : vector<1x1024x128xf32> to vector<1024x128xf32>
    %get3A_4 = arith.constant 1 : index
    %get3A_5 = arith.constant 0 : index
    %get3A_6 = arith.constant 0 : index
    %get3A_7 = vector.load %arg2[%get3A_4, %get3A_5, %get3A_6] : memref<2x1024x128xf32, #tpu.memory_space<vmem>>, vector<1x1024x128xf32>
    %get3A_8 = vector.shape_cast %get3A_7 : vector<1x1024x128xf32> to vector<1024x128xf32>
    %add3A = arith.addf %get3A_3, %get3A_8 : vector<1024x128xf32>
    %iota3A = tpu.iota {dimensions = array<i32: 0>} : vector<1024x1xi32>
    %mul3A = arith.constant 1024 : i32
    %mul3A_9 = arith.muli %arg0, %mul3A : i32
    %add3A_10 = vector.broadcast %mul3A_9 : i32 to vector<1024x1xi32>
    %add3A_11 = arith.addi %iota3A, %add3A_10 : vector<1024x1xi32>
    %lt3A = arith.constant 10000 : i32
    %lt3A_12 = vector.broadcast %lt3A : i32 to vector<1024x1xi32>
    %lt3A_13 = arith.cmpi slt, %add3A_11, %lt3A_12 : vector<1024x1xi32>
    %convert_element_type3A = arith.extui %lt3A_13 : vector<1024x1xi1> to vector<1024x1xi32>
    %convert_element_type3A_14 = arith.sitofp %convert_element_type3A : vector<1024x1xi32> to vector<1024x1xf32>
    %get3A_15 = arith.constant 0 : index
    %get3A_16 = arith.constant 0 : index
    %get3A_17 = arith.constant 0 : index
    %get3A_18 = vector.load %arg3[%get3A_15, %get3A_16, %get3A_17] : memref<2x1024x128xf32, #tpu.memory_space<vmem>>, vector<1x1024x1xf32>
    %get3A_19 = vector.shape_cast %get3A_18 : vector<1x1024x1xf32> to vector<1024x1xf32>
    %get3A_20 = arith.constant 0 : index
    %get3A_21 = arith.constant 0 : index
    %get3A_22 = arith.constant 0 : index
    %get3A_23 = vector.load %arg2[%get3A_20, %get3A_21, %get3A_22] : memref<2x1024x128xf32, #tpu.memory_space<vmem>>, vector<1x1024x1xf32>
    %get3A_24 = vector.shape_cast %get3A_23 : vector<1x1024x1xf32> to vector<1024x1xf32>
    %sub3A = arith.subf %get3A_19, %get3A_24 : vector<1024x1xf32>
    %get3A_25 = arith.constant 1 : index
    %get3A_26 = arith.constant 0 : index
    %get3A_27 = arith.constant 0 : index
    %get3A_28 = vector.load %arg3[%get3A_25, %get3A_26, %get3A_27] : memref<2x1024x128xf32, #tpu.memory_space<vmem>>, vector<1x1024x1xf32>
    %get3A_29 = vector.shape_cast %get3A_28 : vector<1x1024x1xf32> to vector<1024x1xf32>
    %add3A_30 = arith.addf %sub3A, %get3A_29 : vector<1024x1xf32>
    %get3A_31 = arith.constant 1 : index
    %get3A_32 = arith.constant 0 : index
    %get3A_33 = arith.constant 0 : index
    %get3A_34 = vector.load %arg2[%get3A_31, %get3A_32, %get3A_33] : memref<2x1024x128xf32, #tpu.memory_space<vmem>>, vector<1x1024x1xf32>
    %get3A_35 = vector.shape_cast %get3A_34 : vector<1x1024x1xf32> to vector<1024x1xf32>
    %sub3A_36 = arith.subf %add3A_30, %get3A_35 : vector<1024x1xf32>
    %max3A = arith.constant 1.000000e+00 : f32
    %max3A_37 = vector.broadcast %max3A : f32 to vector<1024x1xf32>
    %max3A_38 = arith.maximumf %sub3A_36, %max3A_37 : vector<1024x1xf32>
    %div3A = arith.constant 1.000000e+00 : f32
    %div3A_39 = vector.broadcast %div3A : f32 to vector<1024x1xf32>
    %div3A_40 = arith.divf %div3A_39, %max3A_38 : vector<1024x1xf32>
    %get3A_41 = arith.constant 0 : index
    %get3A_42 = arith.constant 0 : index
    %get3A_43 = vector.load %arg1[%get3A_41, %get3A_42] : memref<1024x128xf32, #tpu.memory_space<vmem>>, vector<1024x128xf32>
    %mul3A_44 = vector.broadcast %div3A_40 : vector<1024x1xf32> to vector<1024x128xf32>
    %mul3A_45 = arith.mulf %add3A, %mul3A_44 : vector<1024x128xf32>
    %add3A_46 = arith.addf %get3A_43, %mul3A_45 : vector<1024x128xf32>
    %get3A_47 = arith.constant 0 : index
    %get3A_48 = arith.constant 0 : index
    %get3A_49 = vector.load %arg4[%get3A_47, %get3A_48] : memref<128x128xf32, #tpu.memory_space<vmem>>, vector<128x128xf32>
    %dot_general3A = arith.constant dense<0.000000e+00> : vector<1024x128xf32>
    %dot_general3A_50 = tpu.matmul %add3A_46, %get3A_49, %dot_general3A {dimension_numbers = #tpu.dot_dimension_numbers<[1], [1], [0], [0], [0, 0, 1, 0], [], []>, transpose_lhs_hint = false} : vector<1024x128xf32>, vector<128x128xf32>, vector<1024x128xf32> -> vector<1024x128xf32>
    %get3A_51 = arith.constant 0 : index
    %get3A_52 = arith.constant 0 : index
    %get3A_53 = vector.load %arg5[%get3A_51, %get3A_52] : memref<1x128xf32, #tpu.memory_space<vmem>>, vector<1x128xf32>
    %add3A_54 = vector.broadcast %get3A_53 : vector<1x128xf32> to vector<1024x128xf32>
    %add3A_55 = arith.addf %dot_general3A_50, %add3A_54 : vector<1024x128xf32>
    %swap3A = arith.constant 0 : index
    %swap3A_56 = arith.constant 0 : index
    %swap3A_57 = vector.load %arg6[%swap3A, %swap3A_56] : memref<1024x128xf32, #tpu.memory_space<vmem>>, vector<1024x128xf32>
    tpu.vector_store %arg6[%swap3A, %swap3A_56], %add3A_55 {strides = array<i32>} : memref<1024x128xf32, #tpu.memory_space<vmem>>, vector<1024x128xf32>,
    %eq3A = arith.constant 0 : i32
    %eq3A_58 = arith.cmpi eq, %arg0, %eq3A : i32
    %convert_element_type3A_59 = arith.extui %eq3A_58 : i1 to i32
    %cond3A = arith.constant 0 : i32
    %cond3A_60 = arith.cmpi ne, %convert_element_type3A_59, %cond3A : i32
    scf.if %cond3A_60 {
      %broadcast_in_dim3A_87 = arith.constant 0.000000e+00 : f32
      %broadcast_in_dim3A_88 = vector.broadcast %broadcast_in_dim3A_87 : f32 to vector<1x128xf32>
      %swap3A_89 = arith.constant 0 : index
      %swap3A_90 = arith.constant 0 : index
      %swap3A_91 = vector.load %arg9[%swap3A_89, %swap3A_90] : memref<1x128xf32, #tpu.memory_space<vmem>>, vector<1x128xf32>
      tpu.vector_store %arg9[%swap3A_89, %swap3A_90], %broadcast_in_dim3A_88 {strides = array<i32>} : memref<1x128xf32, #tpu.memory_space<vmem>>, vector<1x128xf32>,
      %broadcast_in_dim3A_92 = arith.constant 0.000000e+00 : f32
      %broadcast_in_dim3A_93 = vector.broadcast %broadcast_in_dim3A_92 : f32 to vector<1x128xf32>
      %swap3A_94 = arith.constant 0 : index
      %swap3A_95 = arith.constant 0 : index
      %swap3A_96 = vector.load %arg10[%swap3A_94, %swap3A_95] : memref<1x128xf32, #tpu.memory_space<vmem>>, vector<1x128xf32>
      tpu.vector_store %arg10[%swap3A_94, %swap3A_95], %broadcast_in_dim3A_93 {strides = array<i32>} : memref<1x128xf32, #tpu.memory_space<vmem>>, vector<1x128xf32>,
    } else {
    }
    %mul3A_61 = vector.broadcast %convert_element_type3A_14 : vector<1024x1xf32> to vector<1024x128xf32>
    %mul3A_62 = arith.mulf %add3A_55, %mul3A_61 : vector<1024x128xf32>
    %get3A_63 = arith.constant 0 : index
    %get3A_64 = arith.constant 0 : index
    %get3A_65 = vector.load %arg9[%get3A_63, %get3A_64] : memref<1x128xf32, #tpu.memory_space<vmem>>, vector<1x128xf32>
    %reduce_sum3A = arith.constant dense<0.000000e+00> : vector<128xf32>
    %reduce_sum3A_66 = vector.multi_reduction <add>, %mul3A_62, %reduce_sum3A [0] : vector<1024x128xf32> to vector<128xf32>
    %broadcast_in_dim3A = vector.shape_cast %reduce_sum3A_66 : vector<128xf32> to vector<1x128xf32>
    %add3A_67 = arith.addf %get3A_65, %broadcast_in_dim3A : vector<1x128xf32>
    %swap3A_68 = arith.constant 0 : index
    %swap3A_69 = arith.constant 0 : index
    %swap3A_70 = vector.load %arg9[%swap3A_68, %swap3A_69] : memref<1x128xf32, #tpu.memory_space<vmem>>, vector<1x128xf32>
    tpu.vector_store %arg9[%swap3A_68, %swap3A_69], %add3A_67 {strides = array<i32>} : memref<1x128xf32, #tpu.memory_space<vmem>>, vector<1x128xf32>,
    %get3A_71 = arith.constant 0 : index
    %get3A_72 = arith.constant 0 : index
    %get3A_73 = vector.load %arg10[%get3A_71, %get3A_72] : memref<1x128xf32, #tpu.memory_space<vmem>>, vector<1x128xf32>
    %mul3A_74 = arith.mulf %mul3A_62, %mul3A_62 : vector<1024x128xf32>
    %reduce_sum3A_75 = arith.constant dense<0.000000e+00> : vector<128xf32>
    %reduce_sum3A_76 = vector.multi_reduction <add>, %mul3A_74, %reduce_sum3A_75 [0] : vector<1024x128xf32> to vector<128xf32>
    %broadcast_in_dim3A_77 = vector.shape_cast %reduce_sum3A_76 : vector<128xf32> to vector<1x128xf32>
    %add3A_78 = arith.addf %get3A_73, %broadcast_in_dim3A_77 : vector<1x128xf32>
    %swap3A_79 = arith.constant 0 : index
    %swap3A_80 = arith.constant 0 : index
    %swap3A_81 = vector.load %arg10[%swap3A_79, %swap3A_80] : memref<1x128xf32, #tpu.memory_space<vmem>>, vector<1x128xf32>
    tpu.vector_store %arg10[%swap3A_79, %swap3A_80], %add3A_78 {strides = array<i32>} : memref<1x128xf32, #tpu.memory_space<vmem>>, vector<1x128xf32>,
    %eq3A_82 = arith.constant 9 : i32
    %eq3A_83 = arith.cmpi eq, %arg0, %eq3A_82 : i32
    %convert_element_type3A_84 = arith.extui %eq3A_83 : i1 to i32
    %cond3A_85 = arith.constant 0 : i32
    %cond3A_86 = arith.cmpi ne, %convert_element_type3A_84, %cond3A_85 : i32
    scf.if %cond3A_86 {
      %get3A_87 = arith.constant 0 : index
      %get3A_88 = arith.constant 0 : index
      %get3A_89 = vector.load %arg9[%get3A_87, %get3A_88] : memref<1x128xf32, #tpu.memory_space<vmem>>, vector<1x128xf32>
      %swap3A_90 = arith.constant 0 : index
      %swap3A_91 = arith.constant 0 : index
      %swap3A_92 = vector.load %arg7[%swap3A_90, %swap3A_91] : memref<1x128xf32, #tpu.memory_space<vmem>>, vector<1x128xf32>
      tpu.vector_store %arg7[%swap3A_90, %swap3A_91], %get3A_89 {strides = array<i32>} : memref<1x128xf32, #tpu.memory_space<vmem>>, vector<1x128xf32>,
      %get3A_93 = arith.constant 0 : index
      %get3A_94 = arith.constant 0 : index
      %get3A_95 = vector.load %arg10[%get3A_93, %get3A_94] : memref<1x128xf32, #tpu.memory_space<vmem>>, vector<1x128xf32>
      %swap3A_96 = arith.constant 0 : index
      %swap3A_97 = arith.constant 0 : index
      %swap3A_98 = vector.load %arg8[%swap3A_96, %swap3A_97] : memref<1x128xf32, #tpu.memory_space<vmem>>, vector<1x128xf32>
      tpu.vector_store %arg8[%swap3A_96, %swap3A_97], %get3A_95 {strides = array<i32>} : memref<1x128xf32, #tpu.memory_space<vmem>>, vector<1x128xf32>,
    } else {
    }
    return
  }
  func.func @transform_0(%arg0: i32) -> (i32, i32) {
    %c0_i32 = arith.constant 0 : i32
    %c0_i32_0 = arith.constant 0 : i32
    return %arg0, %c0_i32 : i32, i32
  }
  func.func @transform_1(%arg0: i32) -> (i32, i32, i32) {
    %c0_i32 = arith.constant 0 : i32
    %c0_i32_0 = arith.constant 0 : i32
    %c0_i32_1 = arith.constant 0 : i32
    return %c0_i32, %arg0, %c0_i32_0 : i32, i32, i32
  }
  func.func @transform_2(%arg0: i32) -> (i32, i32, i32) {
    %c0_i32 = arith.constant 0 : i32
    %c0_i32_0 = arith.constant 0 : i32
    %c0_i32_1 = arith.constant 0 : i32
    return %c0_i32, %arg0, %c0_i32_0 : i32, i32, i32
  }
  func.func @transform_3(%arg0: i32) -> (i32, i32) {
    %c0_i32 = arith.constant 0 : i32
    %c0_i32_0 = arith.constant 0 : i32
    %c0_i32_1 = arith.constant 0 : i32
    return %c0_i32, %c0_i32_0 : i32, i32
  }
  func.func @transform_4(%arg0: i32) -> (i32, i32) {
    %c0_i32 = arith.constant 0 : i32
    %c0_i32_0 = arith.constant 0 : i32
    %c0_i32_1 = arith.constant 0 : i32
    return %c0_i32, %c0_i32_0 : i32, i32
  }
  func.func @transform_5(%arg0: i32) -> (i32, i32) {
    %c0_i32 = arith.constant 0 : i32
    %c0_i32_0 = arith.constant 0 : i32
    return %arg0, %c0_i32 : i32, i32
  }
  func.func @transform_6(%arg0: i32) -> (i32, i32) {
    %c0_i32 = arith.constant 0 : i32
    %c0_i32_0 = arith.constant 0 : i32
    %c0_i32_1 = arith.constant 0 : i32
    return %c0_i32, %c0_i32_0 : i32, i32
  }
  func.func @transform_7(%arg0: i32) -> (i32, i32) {
    %c0_i32 = arith.constant 0 : i32
    %c0_i32_0 = arith.constant 0 : i32
    %c0_i32_1 = arith.constant 0 : i32
    return %c0_i32, %c0_i32_0 : i32, i32
  }
}

</mosaic_0001>

<sc_bundles>
// kernel: kernel.5.cloned.1.call-start
scs
__scs_entry_jumppad:
0x0: {  	(pc) =	sbr.rel $0x88, $3  }
0x1: {  	(tag) =	ssettag $0x0;
	lr =	simm.s32 $0x1  }
0x2: {  	[smem:$0x3F9B] =	sst lr;
	_ =	strace $0xD0000000  }
0x3: {  	_ = 	snop  }
0x4: {  	_ = 	snop  }
0x5: {  	_ = 	snop  }
0x6: {  	_ = 	snop  }
0x7: {  	_ = 	snop  }
__scs_overlays_trampoline_lowered:
0x8: {  	[smem:$0x3FAA] =	sst s0  }
0x9: {  	[smem:$0x3FAB] =	sst s1  }
0xa: {  	[smem:$0x3FAC] =	sst s2  }
0xb: {  	[smem:$0x3FAD] =	sst s3  }
0xc: {  	[smem:$0x3FAE] =	sst s4  }
0xd: {  	[smem:$0x3FAF] =	sst s5  }
0xe: {  	[smem:$0x3FB0] =	sst s6  }
0xf: {  	[smem:$0x3FB1] =	sst s7  }
0x10: {  	[smem:$0x3FB2] =	sst s8  }
0x11: {  	[smem:$0x3FB3] =	sst s9;
	s0 =	simm.s32 @!p0 $0x0  }
0x12: {  	s1 =	sld [smem:$0x3F99];
	s0 =	simm.s32 @p0 $0x1  }
0x13: {  	[smem:$0x3FB4] =	sst s0;
	s0 =	simm.s32 @!p1 $0x0  }
0x14: {  	s2 =	sld [smem:$0x3F98];
	s0 =	simm.s32 @p1 $0x1  }
0x15: {  	[smem:$0x3FB5] =	sst s0;
	s0 =	simm.s32 @!p2 $0x0  }
0x16: {  	s3 =	sld [smem:$0x3FDB];
	s0 =	simm.s32 @p2 $0x1  }
0x17: {  	s4 =	simm.s32 $0x1BF5;
	[smem:$0x3FB7] =	sst s0  }
0x18: {  	s0 =	sld [smem:$0x3F9A];
	_ =	swait.ge [sflag:s4], $0x0  }
0x19: {  	s7 =	sld [smem:$0x3F9B]  }
0x1a: {  	s8 =	sadd.s32 $0xFFFFE003, lr  }
0x1b: {  	s9 =	sadd.s32 $0xFFFFFEF7, lr;
	s5 =	simm.s32 $0xFFFFFFFF;
	p2 =	slt.u32 s8, $0xFFFFF086  }
0x1c: {  	p1 =	slt.u32 s9, $0xF7A;
	s5 =	simm.s32 @!p2 $0x0  }
0x1d: {  	s5 =	simm.s32 @p1 $0x1;
	p0 =	seq.s32 s7, s2  }
0x1e: {  	s7 =	smul.u32 @!p0 $0xF7A, s2;
	p2 =	seq.s32 @!p0 s5, $0x0  }
0x1f: {  	s9 =	smul.u32 $0xF7A, s1;
	s8 =	simm.s32 @!p0 $0x1BF5;
	p2 =	por !p2, p0  }
0x20: {  	[sflag:s8] =	ssyncset.s32 @!p0 $0xFFFFF086;
	s6 =	sadd.s32 @!p0 s3, s7;
	s7 =	simm.s32 @!p0 $0x108  }
0x21: {  	s3 =	sadd.s32 s3, s9;
	s6 =	sadd.s32 @!p0 $0x88, s6;
	s7 =	simm.s32 @p2 $0x1082  }
0x22: {  	[simem:s7], [sflag:s8] =	dma.local @!p0 [hbm:s6], $0xF7A  }
0x23: {  	s9 =	sor.u32 $0xD0000000, s2;
	s6 =	simm.s32 $0x108;
	_ =	swait.ge @!p0 [sflag:s8], $0x0  }
0x24: {  	s3 =	sadd.s32 $0x88, s3;
	s6 =	simm.s32 @!p1 $0x1082;
	[sflag:s4] =	ssyncset.s32 $0xFFFFF086  }
0x25: {  	[simem:s6], [sflag:s4] =	dma.local [hbm:s3], $0xF7A  }
0x26: {  	[smem:$0x3F9B] =	sst s1;
	(tag) =	ssettag s2;
	_ =	strace s9  }
0x27: {  	s1 =	sld [smem:$0x3FAB]  }
0x28: {  	s2 =	sld [smem:$0x3FAC]  }
0x29: {  	s4 =	sld [smem:$0x3FAE]  }
0x2a: {  	p0 =	seq.s32 s5, $0x0;
	s5 =	sld [smem:$0x3FAF]  }
0x2b: {  	s6 =	sld [smem:$0x3FB0]  }
0x2c: {  	s7 =	sld [smem:$0x3FB1]  }
0x2d: {  	s3 =	simm.s32 $0x108;
	s8 =	sld [smem:$0x3FB2]  }
0x2e: {  	s3 =	simm.s32 @!p0 $0x1082;
	s9 =	sld [smem:$0x3FB3]  }
0x2f: {  	lr =	sadd.s32 s0, s3;
	s0 =	sld [smem:$0x3FAA]  }
0x30: {  	s3 =	sld [smem:$0x3FAD]  }
0x31: {  	[smem:$0x3FB6] =	sst s10  }
0x32: {  	s10 =	sld [smem:$0x3FB4];
	_ =	sdelay $0x3  }
0x33: {  	p0 =	seq.s32 s10, $0x1;
	s10 =	sld [smem:$0x3FB6];
	_ =	sdelay $0x3  }
0x34: {  	[smem:$0x3FB6] =	sst s10  }
0x35: {  	s10 =	sld [smem:$0x3FB5];
	_ =	sdelay $0x3  }
0x36: {  	p1 =	seq.s32 s10, $0x1;
	s10 =	sld [smem:$0x3FB6];
	_ =	sdelay $0x3  }
0x37: {  	[smem:$0x3FB6] =	sst s10  }
0x38: {  	s10 =	sld [smem:$0x3FB7]  }
0x39: {  	_ = 	snop;
	(pc) =	sbr.ind lr, $3  }
0x3a: {  	_ = 	snop  }
0x3b: {  	_ = 	snop  }
0x3c: {  	p2 =	seq.s32 s10, $0x1;
	s10 =	sld [smem:$0x3FB6]  }
0x3d: {  	_ =	shalt  }
0x3e: {  	_ =	shalt  }
0x3f: {  	_ =	shalt  }
0x40: {  	_ =	shalt  }
0x41: {  	_ =	shalt  }
0x42: {  	_ =	shalt  }
0x43: {  	_ =	shalt  }
0x44: {  	_ =	shalt  }
0x45: {  	_ =	shalt  }
0x46: {  	_ =	shalt  }
0x47: {  	_ =	shalt  }
0x48: {  	_ =	shalt  }
0x49: {  	_ =	shalt  }
0x4a: {  	_ =	shalt  }
0x4b: {  	_ =	shalt  }
0x4c: {  	_ =	shalt  }
0x4d: {  	_ =	shalt  }
0x4e: {  	_ =	shalt  }
0x4f: {  	_ =	shalt  }
0x50: {  	_ =	shalt  }
0x51: {  	_ =	shalt  }
0x52: {  	_ =	shalt  }
0x53: {  	_ =	shalt  }
0x54: {  	_ =	shalt  }
0x55: {  	_ =	shalt  }
0x56: {  	_ =	shalt  }
0x57: {  	_ =	shalt  }
0x58: {  	_ =	shalt  }
0x59: {  	_ =	shalt  }
0x5a: {  	_ =	shalt  }
0x5b: {  	_ =	shalt  }
0x5c: {  	_ =	shalt  }
0x5d: {  	_ =	shalt  }
0x5e: {  	_ =	shalt  }
0x5f: {  	_ =	shalt  }
0x60: {  	_ =	shalt  }
0x61: {  	_ =	shalt  }
0x62: {  	_ =	shalt  }
0x63: {  	_ =	shalt  }
0x64: {  	_ =	shalt  }
0x65: {  	_ =	shalt  }
0x66: {  	_ =	shalt  }
0x67: {  	_ =	shalt  }
0x68: {  	_ =	shalt  }
0x69: {  	_ =	shalt  }
0x6a: {  	_ =	shalt  }
0x6b: {  	_ =	shalt  }
0x6c: {  	_ =	shalt  }
0x6d: {  	_ =	shalt  }
0x6e: {  	_ =	shalt  }
0x6f: {  	_ =	shalt  }
0x70: {  	_ =	shalt  }
0x71: {  	_ =	shalt  }
0x72: {  	_ =	shalt  }
0x73: {  	_ =	shalt  }
0x74: {  	_ =	shalt  }
0x75: {  	_ =	shalt  }
0x76: {  	_ =	shalt  }
0x77: {  	_ =	shalt  }
0x78: {  	_ =	shalt  }
0x79: {  	_ =	shalt  }
0x7a: {  	_ =	shalt  }
0x7b: {  	_ =	shalt  }
0x7c: {  	_ =	shalt  }
0x7d: {  	_ =	shalt  }
0x7e: {  	_ =	shalt  }
0x7f: {  	_ =	shalt  }
0x80: {  	_ =	shalt  }
0x81: {  	_ =	shalt  }
0x82: {  	_ =	shalt  }
0x83: {  	_ =	shalt  }
0x84: {  	_ =	shalt  }
0x85: {  	_ =	shalt  }
0x86: {  	_ =	shalt  }
0x87: {  	_ =	shalt  }
.Lfunc_end0:
.L_simem_size_0:
called_computation_lowered:
.L_overlay_start_0:
0x88: {  	s2 =	sld [smem:$0x3FD9]  }
0x89: {  	s3 =	sld [smem:$0x3FFE];
	_ =	sdelay $0x1  }
0x8a: {  	s1 =	srdreg.scid  }
0x8b: {  	s0 =	sand.u32 $0x1, s1  }
0x8c: {  	s17 =	sshll.u32 s0, $0xA;
	s2 =	sadd.s32 s3, s2  }
0x8d: {  	s2 =	sadd.s32 s2, s17  }
0x8e: {  	[smem:$0x3FC2] =	sst s2  }
0x8f: {  	_ = 	snop  }
0x90: {  	s2 =	sld [smem:$0x3FC9]  }
0x91: {  	s18 =	sld [smem:$0x3FD0];
	(tm) =	ssettm $0x1  }
0x92: {  	s4 =	sld [smem:$0x3FFB];
	_ =	sdelay $0x3  }
0x93: {  	_ =	strace s4  }
0x94: {  	s4 =	sld [smem:$0x3FFC];
	_ =	sdelay $0x3  }
0x95: {  	_ =	strace s4  }
0x96: {  	s4 =	sld [smem:$0x3FFD];
	_ =	sdelay $0x3  }
0x97: {  	_ =	strace s4  }
0x98: {  	_ =	strace $0x8FFFFFFF  }
0x99: {  	s19 =	sld [smem:$0x3FDB];
	_ =	sdelay $0x1  }
0x9a: {  	s5 =	simm.s32 $_scs_section_size  }
0x9b: {  	s6 =	simm.s32 $_size__tile_overlayer_lowered;
	s7 =	simm.s32 $_tile_overlayer_lowered  }
0x9c: {  	s22 =	simm.s32 $0x1BFF;
	s21 =	sshll.u32 s7, $0x1;
	s4 =	sadd.s32 s5, s19  }
0x9d: {  	s8 =	simm.s32 $0x0;
	s20 =	sshll.u32 s6, $0x1;
	s6 =	sadd.s32 s21, s4  }
0x9e: {  	[timem:s8], [sflag:s22] =	dma.local [hbm:s6], s20  }
0x9f: {  	_ =	swait.ge [sflag:s22], s20  }
0xa0: {  	s5 =	ssub.s32 $0x0, s20;
	[sflag:s22] =	ssyncset.done $0x0  }
0xa1: {  	[sflag:s22] =	ssyncadd.s32 s5;
	_ =	sdelay $0x1  }
0xa2: {  	s23 =	simm.s32 $0x1B8B  }
0xa3: {  	_ =	swait.ge [sflag:s23], $0x1  }
0xa4: {  	[sflag:s23] =	ssyncset.done $0x0  }
0xa5: {  	s25 =	simm.s32 $0x1B8E;
	s24 =	sld [smem:$0x3FFE];
	[sflag:s23] =	ssyncadd.s32 $0xFFFFFFFF  }
0xa6: {  	s26 =	simm.s32 $execute0_lowered;
	[smem:$0x3FD2] =	sst s25  }
0xa7: {  	s6 =	sshll.u32 s26, $0x1;
	_ =	strace $0x80000046;
	[dreg:$0x1] =	wrdreg $0xFFFFFFFF  }
0xa8: {  	s28 =	simm.s32 $_size_execute0_lowered;
	s4 =	sadd.s32 s4, s6;
	[dreg:$0x0] =	wrdreg $0x0  }
0xa9: {  	s6 =	sshll.u32 s28, $0x1;
	[dreg:$0x2] =	wrdreg s4  }
0xaa: {  	[dreg:$0x3] =	wrdreg s6  }
0xab: {  	[dreg:$0x4] =	wrdreg $0xC0  }
0xac: {  	_ =	task [dreg:s8], $0x5FFFF  }
0xad: {  	[dreg:$0x1] =	wrdreg $0xFFFFFFFF  }
0xae: {  	[dreg:$0x0] =	wrdreg $0x60  }
0xaf: {  	[dreg:$0x2] =	wrdreg s2  }
0xb0: {  	[dreg:$0x3] =	wrdreg s24  }
0xb1: {  	[dreg:$0x4] =	wrdreg s18  }
0xb2: {  	[dreg:$0x5] =	wrdreg $0x0  }
0xb3: {  	[dreg:$0x6] =	wrdreg $0x9  }
0xb4: {  	_ =	task.clear_ibuf [dreg:s8], $0x7FFFF;
	_ =	strace $0x90000046  }
0xb5: {  	s29 =	simm.s32 $0x9;
	_ =	strace $0x80000048  }
0xb6: {  	_ =	swait.ge [sflag:s29], $0x1  }
0xb7: {  	[sflag:s29] =	ssyncadd.s32 $0xFFFFFFFF  }
0xb8: {  	_ =	strace $0x90000048  }
0xb9: {  	_ =	sfence  }
0xba: {  	s30 =	sld [smem:$0x0];
	_ =	sdelay $0x2  }
0xbb: {  	s31 =	sshll.u32 s1, $0xD;
	s1 =	sshrl.u32 s1, $0x2  }
0xbc: {  	s3 =	sand.u32 $0x4000, s31;
	s1 =	sadd.s32 s1, s30  }
0xbd: {  	s0 =	sor.u32 s3, s0;
	s1 =	sshll.u32 s1, $0x11  }
0xbe: {  	s0 =	sor.u32 s1, s0  }
0xbf: {  	s0 =	sadd.s32 $0x8F2B, s0  }
0xc0: {  	[sflag:s0] =	ssyncadd.remote.s32 $0x1  }
0xc1: {  	_ =	sfence.sel $0xFFFF  }
0xc2: {  	[dreg:$0x0] =	wrdreg $0xFFFFFFFF;
	(pc) =	sbr.abs _section_cstart, $3  }
0xc3: {  	[dreg:$0x1] =	wrdreg $0xFFFFFFFF  }
0xc4: {  	_ =	task.clear_ibuf [dreg:s8], $0x2FFFF;
	_ =	strace $0x9FFFFFFF  }
0xc5: {  	(tm) =	ssettm $0x7FFFFFFF  }
tec
execute0_lowered:
.L_overlay_start_1:
0x0: {  	(tag) =	ssettag $0x1  }
0x1: {  	s0 =	rddreg [dreg:$0x0]  }
0x2: {  	s1 =	rddreg [dreg:$0x1]  }
0x3: {  	s2 =	srdreg.scid;
	s5 =	rddreg [dreg:$0x2]  }
0x4: {  	s3 =	rddreg [dreg:$0x3];
	s11 =	stileid.u32  }
0x5: {  	s4 =	simm.s32 $0x0;
	s28 =	simm.s32 $0x17D80;
	s29 =	simm.s32 $0x17E00  }
0x6: {  	s30 =	simm.s32 $0x16800;
	s31 =	simm.s32 $0x16880;
	s2 =	sand.u32 $0x1, s2  }
0x7: {  	[smem:$0x7FF] =	sst s4;
	s9 =	sshll.u32 s11, $0x7;
	s14 =	sadd.s32 $0xBE00, s1  }
0x8: {  	s6 =	sshll.u32 s2, $0x4;
	_ =	strace $0x80000047;
	s10 =	smul.u32 $0x2800, s2  }
0x9: {  	s2 =	ssub.s32 $0x2, s2;
	s6 =	sor.u32 s11, s6;
	s11 =	smul.u32 $0x280, s11  }
0xa: {  	s9 =	sadd.s32 s9, s1;
	s12 =	sshrl.u32 s2, $0x1;
	s7 =	smul.u32 $0x500, s6  }
0xb: {  	s9 =	sadd.s32 $0x1600, s9;
	s6 =	smul.u32 $0x2800, s6;
	s2 =	ssub.s32 s2, s12  }
0xc: {  	[dreg:$0x5] =	wrdreg s9;
	s10 =	sadd.s32 s11, s10;
	s2 =	smax.u32 s2, $0x1  }
0xd: {  	s8 =	sadd.s32 s7, s1;
	s1 =	sadd.s32 $0x5BE00, s1;
	s6 =	sshrl.u32 s6, $0x3  }
0xe: {  	s7 =	sadd.s32 s5, s7;
	s20 =	sshll.u32 s10, $0x4;
	[dreg:$0x9] =	wrdreg s2  }
0xf: {  	s2 =	simm.s32 $0x1;
	s8 =	sadd.s32 $0x1E00, s8;
	[dreg:$0x7] =	wrdreg s7  }
0x10: {  	s5 =	sadd.s32 s5, s6;
	s21 =	sadd.s32 $0x800, s20;
	s22 =	sadd.s32 s14, s20  }
0x11: {  	s24 =	sadd.s32 $0x1000, s20;
	s25 =	sadd.s32 $0x1800, s20;
	s26 =	sadd.s32 $0x2000, s20  }
0x12: {  	s15 =	sadd.s32 s1, s20;
	s20 =	simm.s32 $0x17C00;
	[dreg:$0x6] =	wrdreg s8  }
0x13: {  	s6 =	simm.s32 $0x0;
	s5 =	sadd.s32 $0x280, s5;
	[dreg:$0xa] =	wrdreg s22  }
0x14: {  	s23 =	sadd.s32 s14, s21;
	s12 =	sadd.s32 s14, s24;
	s13 =	sadd.s32 s14, s25  }
0x15: {  	s14 =	sadd.s32 s14, s26;
	s16 =	sadd.s32 s1, s21;
	s17 =	sadd.s32 s1, s24  }
0x16: {  	s18 =	sadd.s32 s1, s25;
	s19 =	sadd.s32 s1, s26;
	s21 =	simm.s32 $0x4  }
0x17: {  	s24 =	simm.s32 $0x18000;
	s25 =	simm.s32 $0x17C80;
	s26 =	simm.s32 $0x17D00  }
0x18: {  	s1 =	simm.s32 $0x1C000;
	s22 =	simm.s32 $0x2;
	[dreg:$0x8] =	wrdreg s5  }
0x19: {  	v0 =	vimm.f32 $0.0e+00;
	v1 =	vimm.f32 $1.000000000e+00;
	[dreg:$0xb] =	wrdreg s23;
	s23 =	simm.s32 $0x80;
	s5 =	simm.s32 $0x3  }
.LBB2_1:
0x1a: {  	s7 =	rddreg [dreg:$0x5]  }
0x1b: {  	[tilespmem:s20], [sflag:$0x4] =	stream.linear.gather [hbm4b:s7+s4], $0x280, $0x38;
	v63 =	vld [tilespmem:$0x0]  }
0x1c: {  	_ =	swait.ge [sflag:s21], $0x280  }
0x1d: {  	[sflag:s21] =	ssyncset.done $0x0  }
0x1e: {  	s8 =	simm.s32 $0x14000;
	s11 =	rddreg [dreg:$0x6];
	[sflag:s21] =	ssyncadd.s32 $0xFFFFFD80  }
0x1f: {  	[tilespmem:s8], [sflag:$0x4] =	stream.linear.gather [hbm4b:s11+s4], $0x2800, $0x38;
	v63 =	vld [tilespmem:$0x0]  }
0x20: {  	_ =	swait.ge [sflag:s21], $0x2800  }
0x21: {  	[sflag:s21] =	ssyncset.done $0x0  }
0x22: {  	s7 =	simm.s32 $0x0;
	s8 =	simm.s32 $0x200;
	[sflag:s21] =	ssyncadd.s32 $0xFFFFD800  }
.LBB2_2:
0x23: {  	p0 =	sne.s32 s8, $0xFE00;
	[tilespmem:s7+$0x18070] =	vst v0  }
0x24: {  	[tilespmem:s7+$0x18000] =	vst v0  }
0x25: {  	[tilespmem:s7+$0x18010] =	vst v0  }
.Ltmp0:
0x26: {  	[tilespmem:s7+$0x18020] =	vst v0;
	(pc) =	sbr.rel @p0 .LBB2_2-.Ltmp0, $4  }
0x27: {  	[tilespmem:s7+$0x18030] =	vst v0  }
0x28: {  	[tilespmem:s7+$0x18040] =	vst v0  }
0x29: {  	[tilespmem:s7+$0x18050] =	vst v0  }
0x2a: {  	[tilespmem:s7+$0x18060] =	vst v0;
	s7 =	sshra.s32 s8, $0x2;
	s8 =	sadd.s32 $0x200, s8  }
0x2b: {  	[tilespmem:s7+$0x18070] =	vst v0  }
0x2c: {  	[tilespmem:s7+$0x18000] =	vst v0  }
0x2d: {  	[tilespmem:s7+$0x18010] =	vst v0  }
0x2e: {  	[tilespmem:s7+$0x18020] =	vst v0  }
0x2f: {  	[tilespmem:s7+$0x18030] =	vst v0  }
0x30: {  	[tilespmem:s7+$0x18040] =	vst v0  }
0x31: {  	[tilespmem:s7+$0x18050] =	vst v0  }
0x32: {  	[tilespmem:s7+$0x18060] =	vst v0  }
0x33: {  	[spmem:s3] =	stream.indirect.scatter [tilespmem:s24], [sflag:$0x4], $0x80, s20, s23, $0xb8;
	v63 =	vld [tilespmem:$0x0]  }
0x34: {  	_ =	swait.ge [sflag:s21], $0x4000  }
0x35: {  	[sflag:s21] =	ssyncset.done $0x0  }
0x36: {  	[sflag:s21] =	ssyncadd.s32 $0xFFFFC000  }
0x37: {  	[spmem:s3] =	stream.indirect.scatter [tilespmem:s24], [sflag:$0x4], $0x80, s25, s23, $0xb8;
	v63 =	vld [tilespmem:$0x0]  }
0x38: {  	_ =	swait.ge [sflag:s21], $0x4000  }
0x39: {  	[sflag:s21] =	ssyncset.done $0x0  }
0x3a: {  	[sflag:s21] =	ssyncadd.s32 $0xFFFFC000  }
0x3b: {  	[spmem:s3] =	stream.indirect.scatter [tilespmem:s24], [sflag:$0x4], $0x80, s26, s23, $0xb8;
	v63 =	vld [tilespmem:$0x0]  }
0x3c: {  	_ =	swait.ge [sflag:s21], $0x4000  }
0x3d: {  	[sflag:s21] =	ssyncset.done $0x0  }
0x3e: {  	[sflag:s21] =	ssyncadd.s32 $0xFFFFC000  }
0x3f: {  	[spmem:s3] =	stream.indirect.scatter [tilespmem:s24], [sflag:$0x4], $0x80, s28, s23, $0xb8;
	v63 =	vld [tilespmem:$0x0]  }
0x40: {  	_ =	swait.ge [sflag:s21], $0x4000  }
0x41: {  	[sflag:s21] =	ssyncset.done $0x0  }
0x42: {  	[sflag:s21] =	ssyncadd.s32 $0xFFFFC000  }
0x43: {  	[spmem:s3] =	stream.indirect.scatter [tilespmem:s24], [sflag:$0x4], $0x80, s29, s23, $0xb8;
	v63 =	vld [tilespmem:$0x0]  }
0x44: {  	_ =	swait.ge [sflag:s21], $0x4000  }
0x45: {  	[sflag:s21] =	ssyncset.done $0x0  }
0x46: {  	[sflag:s21] =	ssyncadd.s32 $0xFFFFC000  }
0x47: {  	[bflag:$0x0] =	sbarrier.arrive $0xFFFF  }
0x48: {  	s11 =	simm.s32 $0x0;
	s8 =	rddreg [dreg:$0x7]  }
0x49: {  	[tilespmem:s30], [sflag:$0x4] =	stream.linear.gather [hbm4b:s8+s11], $0x1400, $0x38;
	v63 =	vld [tilespmem:$0x0]  }
0x4a: {  	_ =	swait.ge [sflag:s21], $0x1400  }
0x4b: {  	[sflag:s21] =	ssyncset.done $0x0  }
0x4c: {  	[sflag:s21] =	ssyncadd.s32 $0xFFFFEC00  }
0x4d: {  	[tilespmem:s24], [sflag:$0x1] =	stream.indirect.gather [hbm4b:s0+s23], $0x80, s30, s23, $0xb8;
	v63 =	vld [tilespmem:$0x0]  }
0x4e: {  	_ = 	snop  }
0x4f: {  	[tilespmem:s1], [sflag:$0x2] =	stream.indirect.gather [hbm4b:s0+s23], $0x80, s31, s23, $0xb8;
	v63 =	vld [tilespmem:$0x0]  }
0x50: {  	_ =	swait.ge [sflag:s2], $0x4000  }
0x51: {  	[sflag:s2] =	ssyncset.done $0x0  }
0x52: {  	s9 =	simm.s32 $0x14000;
	[sflag:s2] =	ssyncadd.s32 $0xFFFFC000  }
0x53: {  	[spmem:s3] =	stream.indirect.scatter.add.f32 [tilespmem:s24], [sflag:$0x4], $0x80, s9, s23, $0xb8;
	v63 =	vld [tilespmem:$0x0]  }
0x54: {  	_ =	swait.ge [sflag:s21], $0x4000  }
0x55: {  	[sflag:s21] =	ssyncset.done $0x0  }
0x56: {  	s10 =	simm.s32 $0x16900;
	[sflag:s21] =	ssyncadd.s32 $0xFFFFC000  }
0x57: {  	[tilespmem:s24], [sflag:$0x1] =	stream.indirect.gather [hbm4b:s0+s23], $0x80, s10, s23, $0xb8;
	v63 =	vld [tilespmem:$0x0]  }
0x58: {  	_ =	swait.ge [sflag:s22], $0x4000  }
0x59: {  	[sflag:s22] =	ssyncset.done $0x0  }
0x5a: {  	s11 =	simm.s32 $0x14080;
	[sflag:s22] =	ssyncadd.s32 $0xFFFFC000  }
0x5b: {  	[spmem:s3] =	stream.indirect.scatter.add.f32 [tilespmem:s1], [sflag:$0x4], $0x80, s11, s23, $0xb8;
	v63 =	vld [tilespmem:$0x0]  }
0x5c: {  	_ =	swait.ge [sflag:s21], $0x4000  }
0x5d: {  	[sflag:s21] =	ssyncset.done $0x0  }
0x5e: {  	s7 =	simm.s32 $0x400;
	s8 =	simm.s32 $0x16980;
	[sflag:s21] =	ssyncadd.s32 $0xFFFFC000  }
.LBB2_4:
0x5f: {  	[tilespmem:s1], [sflag:$0x2] =	stream.indirect.gather [hbm4b:s0+s23], $0x80, s8, s23, $0xb8;
	v63 =	vld [tilespmem:$0x0]  }
0x60: {  	s8 =	smov.u32 s7  }
0x61: {  	p0 =	sne.s32 s7, $0x4800;
	s7 =	sadd.s32 $0x400, s7;
	_ =	swait.ge [sflag:s2], $0x4000  }
0x62: {  	s8 =	sshra.s32 s8, $0x2;
	[sflag:s2] =	ssyncset.done $0x0  }
0x63: {  	s9 =	sadd.s32 $0x14000, s8;
	[sflag:s2] =	ssyncadd.s32 $0xFFFFC000  }
0x64: {  	[spmem:s3] =	stream.indirect.scatter.add.f32 [tilespmem:s24], [sflag:$0x4], $0x80, s9, s23, $0xb8;
	v63 =	vld [tilespmem:$0x0]  }
0x65: {  	_ =	swait.ge [sflag:s21], $0x4000  }
0x66: {  	[sflag:s21] =	ssyncset.done $0x0  }
0x67: {  	s9 =	sadd.s32 $0x16900, s8;
	[sflag:s21] =	ssyncadd.s32 $0xFFFFC000  }
0x68: {  	[tilespmem:s24], [sflag:$0x1] =	stream.indirect.gather [hbm4b:s0+s23], $0x80, s9, s23, $0xb8;
	v63 =	vld [tilespmem:$0x0]  }
0x69: {  	_ =	swait.ge [sflag:s22], $0x4000  }
0x6a: {  	[sflag:s22] =	ssyncset.done $0x0  }
.Ltmp1:
0x6b: {  	s9 =	sadd.s32 $0x14080, s8;
	[sflag:s22] =	ssyncadd.s32 $0xFFFFC000;
	(pc) =	sbr.rel @p0 .LBB2_4-.Ltmp1, $4  }
0x6c: {  	[spmem:s3] =	stream.indirect.scatter.add.f32 [tilespmem:s1], [sflag:$0x4], $0x80, s9, s23, $0xb8;
	v63 =	vld [tilespmem:$0x0]  }
0x6d: {  	_ =	swait.ge [sflag:s21], $0x4000  }
0x6e: {  	[sflag:s21] =	ssyncset.done $0x0  }
0x6f: {  	s8 =	sadd.s32 $0x16980, s8;
	[sflag:s21] =	ssyncadd.s32 $0xFFFFC000  }
0x70: {  	[tilespmem:s1], [sflag:$0x2] =	stream.indirect.gather [hbm4b:s0+s23], $0x80, s8, s23, $0xb8;
	v63 =	vld [tilespmem:$0x0]  }
0x71: {  	_ =	swait.ge [sflag:s2], $0x4000  }
0x72: {  	[sflag:s2] =	ssyncset.done $0x0  }
0x73: {  	s7 =	simm.s32 $0x15300;
	[sflag:s2] =	ssyncadd.s32 $0xFFFFC000  }
0x74: {  	[spmem:s3] =	stream.indirect.scatter.add.f32 [tilespmem:s24], [sflag:$0x4], $0x80, s7, s23, $0xb8;
	v63 =	vld [tilespmem:$0x0]  }
0x75: {  	_ =	swait.ge [sflag:s21], $0x4000  }
0x76: {  	[sflag:s21] =	ssyncset.done $0x0  }
0x77: {  	[sflag:s21] =	ssyncadd.s32 $0xFFFFC000  }
0x78: {  	_ =	swait.ge [sflag:s22], $0x4000  }
0x79: {  	[sflag:s22] =	ssyncset.done $0x0  }
0x7a: {  	s11 =	simm.s32 $0x15380;
	[sflag:s22] =	ssyncadd.s32 $0xFFFFC000  }
0x7b: {  	[spmem:s3] =	stream.indirect.scatter.add.f32 [tilespmem:s1], [sflag:$0x4], $0x80, s11, s23, $0xb8;
	v63 =	vld [tilespmem:$0x0]  }
0x7c: {  	_ =	swait.ge [sflag:s21], $0x4000  }
0x7d: {  	[sflag:s21] =	ssyncset.done $0x0  }
0x7e: {  	s8 =	rddreg [dreg:$0x8];
	[sflag:s21] =	ssyncadd.s32 $0xFFFFC000  }
0x7f: {  	[tilespmem:s30], [sflag:$0x4] =	stream.linear.gather [hbm4b:s8+s4], $0x1400, $0x38;
	v63 =	vld [tilespmem:$0x0]  }
0x80: {  	_ =	swait.ge [sflag:s21], $0x1400  }
0x81: {  	[sflag:s21] =	ssyncset.done $0x0  }
0x82: {  	[sflag:s21] =	ssyncadd.s32 $0xFFFFEC00  }
0x83: {  	[tilespmem:s24], [sflag:$0x1] =	stream.indirect.gather [hbm4b:s0+s23], $0x80, s30, s23, $0xb8;
	v63 =	vld [tilespmem:$0x0]  }
0x84: {  	_ = 	snop  }
0x85: {  	[tilespmem:s1], [sflag:$0x2] =	stream.indirect.gather [hbm4b:s0+s23], $0x80, s31, s23, $0xb8;
	v63 =	vld [tilespmem:$0x0]  }
0x86: {  	_ =	swait.ge [sflag:s2], $0x4000  }
0x87: {  	[sflag:s2] =	ssyncset.done $0x0  }
0x88: {  	s9 =	simm.s32 $0x15400;
	[sflag:s2] =	ssyncadd.s32 $0xFFFFC000  }
0x89: {  	[spmem:s3] =	stream.indirect.scatter.add.f32 [tilespmem:s24], [sflag:$0x4], $0x80, s9, s23, $0xb8;
	v63 =	vld [tilespmem:$0x0]  }
0x8a: {  	_ =	swait.ge [sflag:s21], $0x4000  }
0x8b: {  	[sflag:s21] =	ssyncset.done $0x0  }
0x8c: {  	s10 =	simm.s32 $0x16900;
	[sflag:s21] =	ssyncadd.s32 $0xFFFFC000  }
0x8d: {  	[tilespmem:s24], [sflag:$0x1] =	stream.indirect.gather [hbm4b:s0+s23], $0x80, s10, s23, $0xb8;
	v63 =	vld [tilespmem:$0x0]  }
0x8e: {  	_ =	swait.ge [sflag:s22], $0x4000  }
0x8f: {  	[sflag:s22] =	ssyncset.done $0x0  }
0x90: {  	s11 =	simm.s32 $0x15480;
	[sflag:s22] =	ssyncadd.s32 $0xFFFFC000  }
0x91: {  	[spmem:s3] =	stream.indirect.scatter.add.f32 [tilespmem:s1], [sflag:$0x4], $0x80, s11, s23, $0xb8;
	v63 =	vld [tilespmem:$0x0]  }
0x92: {  	_ =	swait.ge [sflag:s21], $0x4000  }
0x93: {  	[sflag:s21] =	ssyncset.done $0x0  }
0x94: {  	s7 =	simm.s32 $0xFFFFB800;
	s8 =	simm.s32 $0x16980;
	[sflag:s21] =	ssyncadd.s32 $0xFFFFC000  }
.LBB2_6:
0x95: {  	[tilespmem:s1], [sflag:$0x2] =	stream.indirect.gather [hbm4b:s0+s23], $0x80, s8, s23, $0xb8;
	v63 =	vld [tilespmem:$0x0]  }
0x96: {  	s8 =	smov.u32 s7  }
0x97: {  	p0 =	sne.s32 s7, $0xFFFFFC00;
	s7 =	sadd.s32 $0x400, s7;
	_ =	swait.ge [sflag:s2], $0x4000  }
0x98: {  	s8 =	sshra.s32 s8, $0x2;
	[sflag:s2] =	ssyncset.done $0x0  }
0x99: {  	s9 =	sadd.s32 $0x16700, s8;
	[sflag:s2] =	ssyncadd.s32 $0xFFFFC000  }
0x9a: {  	[spmem:s3] =	stream.indirect.scatter.add.f32 [tilespmem:s24], [sflag:$0x4], $0x80, s9, s23, $0xb8;
	v63 =	vld [tilespmem:$0x0]  }
0x9b: {  	_ =	swait.ge [sflag:s21], $0x4000  }
0x9c: {  	[sflag:s21] =	ssyncset.done $0x0  }
0x9d: {  	s9 =	sadd.s32 $0x17C00, s8;
	[sflag:s21] =	ssyncadd.s32 $0xFFFFC000  }
0x9e: {  	[tilespmem:s24], [sflag:$0x1] =	stream.indirect.gather [hbm4b:s0+s23], $0x80, s9, s23, $0xb8;
	v63 =	vld [tilespmem:$0x0]  }
0x9f: {  	_ =	swait.ge [sflag:s22], $0x4000  }
0xa0: {  	[sflag:s22] =	ssyncset.done $0x0  }
.Ltmp2:
0xa1: {  	s9 =	sadd.s32 $0x16780, s8;
	[sflag:s22] =	ssyncadd.s32 $0xFFFFC000;
	(pc) =	sbr.rel @p0 .LBB2_6-.Ltmp2, $4  }
0xa2: {  	[spmem:s3] =	stream.indirect.scatter.add.f32 [tilespmem:s1], [sflag:$0x4], $0x80, s9, s23, $0xb8;
	v63 =	vld [tilespmem:$0x0]  }
0xa3: {  	_ =	swait.ge [sflag:s21], $0x4000  }
0xa4: {  	[sflag:s21] =	ssyncset.done $0x0  }
0xa5: {  	s8 =	sadd.s32 $0x17C80, s8;
	[sflag:s21] =	ssyncadd.s32 $0xFFFFC000  }
0xa6: {  	[tilespmem:s1], [sflag:$0x2] =	stream.indirect.gather [hbm4b:s0+s23], $0x80, s8, s23, $0xb8;
	v63 =	vld [tilespmem:$0x0]  }
0xa7: {  	_ =	swait.ge [sflag:s2], $0x4000  }
0xa8: {  	[sflag:s2] =	ssyncset.done $0x0  }
0xa9: {  	s7 =	simm.s32 $0x16700;
	[sflag:s2] =	ssyncadd.s32 $0xFFFFC000  }
0xaa: {  	[spmem:s3] =	stream.indirect.scatter.add.f32 [tilespmem:s24], [sflag:$0x4], $0x80, s7, s23, $0xb8;
	v63 =	vld [tilespmem:$0x0]  }
0xab: {  	_ =	swait.ge [sflag:s21], $0x4000  }
0xac: {  	[sflag:s21] =	ssyncset.done $0x0  }
0xad: {  	[sflag:s21] =	ssyncadd.s32 $0xFFFFC000  }
0xae: {  	_ =	swait.ge [sflag:s22], $0x4000  }
0xaf: {  	[sflag:s22] =	ssyncset.done $0x0  }
0xb0: {  	s8 =	simm.s32 $0x16780;
	[sflag:s22] =	ssyncadd.s32 $0xFFFFC000  }
0xb1: {  	[spmem:s3] =	stream.indirect.scatter.add.f32 [tilespmem:s1], [sflag:$0x4], $0x80, s8, s23, $0xb8;
	v63 =	vld [tilespmem:$0x0]  }
0xb2: {  	_ =	swait.ge [sflag:s21], $0x4000  }
0xb3: {  	[sflag:s21] =	ssyncset.done $0x0  }
0xb4: {  	[sflag:s21] =	ssyncadd.s32 $0xFFFFC000  }
0xb5: {  	[bflag:$0x0] =	sbarrier.arrive $0xFFFF  }
0xb6: {  	[tilespmem:s24], [sflag:$0x1] =	stream.indirect.gather [spmem:s3], $0x80, s20, s23, $0xb8;
	v63 =	vld [tilespmem:$0x0]  }
0xb7: {  	_ =	swait.ge [sflag:s2], $0x4000  }
0xb8: {  	[sflag:s2] =	ssyncset.done $0x0  }
0xb9: {  	s9 =	simm.s32 $0x0;
	s10 =	rddreg [dreg:$0xa];
	[sflag:s2] =	ssyncadd.s32 $0xFFFFC000  }
0xba: {  	[hbm4b:s10+s9] =	stream.linear.scatter [tilespmem:s24], [sflag:$0x4], $0x4000, $0x38;
	v63 =	vld [tilespmem:$0x0]  }
0xbb: {  	_ =	swait.ge [sflag:s21], $0x4000  }
0xbc: {  	[sflag:s21] =	ssyncset.done $0x0  }
0xbd: {  	[sflag:s21] =	ssyncadd.s32 $0xFFFFC000  }
0xbe: {  	[tilespmem:s24], [sflag:$0x1] =	stream.indirect.gather [spmem:s3], $0x80, s25, s23, $0xb8;
	v63 =	vld [tilespmem:$0x0]  }
0xbf: {  	_ =	swait.ge [sflag:s2], $0x4000  }
0xc0: {  	[sflag:s2] =	ssyncset.done $0x0  }
0xc1: {  	s11 =	rddreg [dreg:$0xb];
	[sflag:s2] =	ssyncadd.s32 $0xFFFFC000  }
0xc2: {  	[hbm4b:s11+s9] =	stream.linear.scatter [tilespmem:s24], [sflag:$0x4], $0x4000, $0x38;
	v63 =	vld [tilespmem:$0x0]  }
0xc3: {  	_ =	swait.ge [sflag:s21], $0x4000  }
0xc4: {  	[sflag:s21] =	ssyncset.done $0x0  }
0xc5: {  	[sflag:s21] =	ssyncadd.s32 $0xFFFFC000  }
0xc6: {  	[tilespmem:s24], [sflag:$0x1] =	stream.indirect.gather [spmem:s3], $0x80, s26, s23, $0xb8;
	v63 =	vld [tilespmem:$0x0]  }
0xc7: {  	_ =	swait.ge [sflag:s2], $0x4000  }
0xc8: {  	[sflag:s2] =	ssyncset.done $0x0  }
0xc9: {  	[sflag:s2] =	ssyncadd.s32 $0xFFFFC000  }
0xca: {  	[hbm4b:s12+s9] =	stream.linear.scatter [tilespmem:s24], [sflag:$0x4], $0x4000, $0x38;
	v63 =	vld [tilespmem:$0x0]  }
0xcb: {  	_ =	swait.ge [sflag:s21], $0x4000  }
0xcc: {  	[sflag:s21] =	ssyncset.done $0x0  }
0xcd: {  	[sflag:s21] =	ssyncadd.s32 $0xFFFFC000  }
0xce: {  	[tilespmem:s24], [sflag:$0x1] =	stream.indirect.gather [spmem:s3], $0x80, s28, s23, $0xb8;
	v63 =	vld [tilespmem:$0x0]  }
0xcf: {  	_ =	swait.ge [sflag:s2], $0x4000  }
0xd0: {  	[sflag:s2] =	ssyncset.done $0x0  }
0xd1: {  	[sflag:s2] =	ssyncadd.s32 $0xFFFFC000  }
0xd2: {  	[hbm4b:s13+s9] =	stream.linear.scatter [tilespmem:s24], [sflag:$0x4], $0x4000, $0x38;
	v63 =	vld [tilespmem:$0x0]  }
0xd3: {  	_ =	swait.ge [sflag:s21], $0x4000  }
0xd4: {  	[sflag:s21] =	ssyncset.done $0x0  }
0xd5: {  	[sflag:s21] =	ssyncadd.s32 $0xFFFFC000  }
0xd6: {  	[tilespmem:s24], [sflag:$0x1] =	stream.indirect.gather [spmem:s3], $0x80, s29, s23, $0xb8;
	v63 =	vld [tilespmem:$0x0]  }
0xd7: {  	_ =	swait.ge [sflag:s2], $0x4000  }
0xd8: {  	[sflag:s2] =	ssyncset.done $0x0  }
0xd9: {  	[sflag:s2] =	ssyncadd.s32 $0xFFFFC000  }
0xda: {  	[hbm4b:s14+s9] =	stream.linear.scatter [tilespmem:s24], [sflag:$0x4], $0x4000, $0x38;
	v63 =	vld [tilespmem:$0x0]  }
0xdb: {  	_ =	swait.ge [sflag:s21], $0x4000  }
0xdc: {  	[sflag:s21] =	ssyncset.done $0x0  }
0xdd: {  	[sflag:s21] =	ssyncadd.s32 $0xFFFFC000  }
0xde: {  	s7 =	simm.s32 $0x0;
	s8 =	simm.s32 $0x200;
	[bflag:$0x0] =	sbarrier.arrive $0xFFFF  }
.LBB2_8:
0xdf: {  	p0 =	sne.s32 s8, $0xFE00;
	[tilespmem:s7+$0x18070] =	vst v1  }
0xe0: {  	[tilespmem:s7+$0x18000] =	vst v1  }
0xe1: {  	[tilespmem:s7+$0x18010] =	vst v1  }
.Ltmp3:
0xe2: {  	[tilespmem:s7+$0x18020] =	vst v1;
	(pc) =	sbr.rel @p0 .LBB2_8-.Ltmp3, $4  }
0xe3: {  	[tilespmem:s7+$0x18030] =	vst v1  }
0xe4: {  	[tilespmem:s7+$0x18040] =	vst v1  }
0xe5: {  	[tilespmem:s7+$0x18050] =	vst v1  }
0xe6: {  	[tilespmem:s7+$0x18060] =	vst v1;
	s7 =	sshra.s32 s8, $0x2;
	s8 =	sadd.s32 $0x200, s8  }
0xe7: {  	[tilespmem:s7+$0x18070] =	vst v1  }
0xe8: {  	[tilespmem:s7+$0x18000] =	vst v1  }
0xe9: {  	[tilespmem:s7+$0x18010] =	vst v1  }
0xea: {  	[tilespmem:s7+$0x18020] =	vst v1  }
0xeb: {  	[tilespmem:s7+$0x18030] =	vst v1  }
0xec: {  	[tilespmem:s7+$0x18040] =	vst v1  }
0xed: {  	[tilespmem:s7+$0x18050] =	vst v1  }
0xee: {  	[tilespmem:s7+$0x18060] =	vst v1;
	s8 =	simm.s32 $0x14000  }
0xef: {  	[spmem:s3] =	stream.indirect.scatter.add.f32 [tilespmem:s24], [sflag:$0x3], $0x80, s8, s23, $0xb8;
	v63 =	vld [tilespmem:$0x0]  }
0xf0: {  	s9 =	simm.s32 $0x14080  }
0xf1: {  	[spmem:s3] =	stream.indirect.scatter.add.f32 [tilespmem:s24], [sflag:$0x3], $0x80, s9, s23, $0xb8;
	v63 =	vld [tilespmem:$0x0]  }
0xf2: {  	s10 =	simm.s32 $0x14100  }
0xf3: {  	[spmem:s3] =	stream.indirect.scatter.add.f32 [tilespmem:s24], [sflag:$0x3], $0x80, s10, s23, $0xb8;
	v63 =	vld [tilespmem:$0x0]  }
0xf4: {  	s11 =	simm.s32 $0x14180  }
0xf5: {  	[spmem:s3] =	stream.indirect.scatter.add.f32 [tilespmem:s24], [sflag:$0x3], $0x80, s11, s23, $0xb8;
	v63 =	vld [tilespmem:$0x0]  }
0xf6: {  	s8 =	simm.s32 $0x14200  }
0xf7: {  	[spmem:s3] =	stream.indirect.scatter.add.f32 [tilespmem:s24], [sflag:$0x3], $0x80, s8, s23, $0xb8;
	v63 =	vld [tilespmem:$0x0]  }
0xf8: {  	s9 =	simm.s32 $0x14280  }
0xf9: {  	[spmem:s3] =	stream.indirect.scatter.add.f32 [tilespmem:s24], [sflag:$0x3], $0x80, s9, s23, $0xb8;
	v63 =	vld [tilespmem:$0x0]  }
0xfa: {  	s10 =	simm.s32 $0x14300  }
0xfb: {  	[spmem:s3] =	stream.indirect.scatter.add.f32 [tilespmem:s24], [sflag:$0x3], $0x80, s10, s23, $0xb8;
	v63 =	vld [tilespmem:$0x0]  }
0xfc: {  	s11 =	simm.s32 $0x14380  }
0xfd: {  	[spmem:s3] =	stream.indirect.scatter.add.f32 [tilespmem:s24], [sflag:$0x3], $0x80, s11, s23, $0xb8;
	v63 =	vld [tilespmem:$0x0]  }
0xfe: {  	_ =	swait.ge [sflag:s5], $0x4000  }
0xff: {  	[sflag:s5] =	ssyncset.done $0x0  }
0x100: {  	[sflag:s5] =	ssyncadd.s32 $0xFFFFC000  }
0x101: {  	_ =	swait.ge [sflag:s5], $0x4000  }
0x102: {  	[sflag:s5] =	ssyncset.done $0x0  }
0x103: {  	[sflag:s5] =	ssyncadd.s32 $0xFFFFC000  }
0x104: {  	_ =	swait.ge [sflag:s5], $0x4000  }
0x105: {  	[sflag:s5] =	ssyncset.done $0x0  }
0x106: {  	[sflag:s5] =	ssyncadd.s32 $0xFFFFC000  }
0x107: {  	_ =	swait.ge [sflag:s5], $0x4000  }
0x108: {  	[sflag:s5] =	ssyncset.done $0x0  }
0x109: {  	[sflag:s5] =	ssyncadd.s32 $0xFFFFC000  }
0x10a: {  	_ =	swait.ge [sflag:s5], $0x4000  }
0x10b: {  	[sflag:s5] =	ssyncset.done $0x0  }
0x10c: {  	[sflag:s5] =	ssyncadd.s32 $0xFFFFC000  }
0x10d: {  	_ =	swait.ge [sflag:s5], $0x4000  }
0x10e: {  	[sflag:s5] =	ssyncset.done $0x0  }
0x10f: {  	[sflag:s5] =	ssyncadd.s32 $0xFFFFC000  }
0x110: {  	_ =	swait.ge [sflag:s5], $0x4000  }
0x111: {  	[sflag:s5] =	ssyncset.done $0x0  }
0x112: {  	[sflag:s5] =	ssyncadd.s32 $0xFFFFC000  }
0x113: {  	_ =	swait.ge [sflag:s5], $0x4000  }
0x114: {  	s7 =	simm.s32 $0x2000;
	s9 =	simm.s32 $0x400;
	[sflag:s5] =	ssyncset.done $0x0  }
.LBB2_10:
0x115: {  	s11 =	sadd.s32 $0x14000, s9  }
0x116: {  	[sflag:s5] =	ssyncadd.s32 $0xFFFFC000;
	s8 =	smov.u32 s7;
	s10 =	sadd.s32 $0x1000, s7  }
0x117: {  	[spmem:s3] =	stream.indirect.scatter.add.f32 [tilespmem:s24], [sflag:$0x3], $0x80, s11, s23, $0xb8;
	v63 =	vld [tilespmem:$0x0]  }
0x118: {  	p0 =	sne.s32 s7, $0x9000;
	s7 =	sadd.s32 $0x14080, s9  }
0x119: {  	[spmem:s3] =	stream.indirect.scatter.add.f32 [tilespmem:s24], [sflag:$0x3], $0x80, s7, s23, $0xb8;
	v63 =	vld [tilespmem:$0x0]  }
0x11a: {  	s7 =	sadd.s32 $0x14100, s9  }
0x11b: {  	[spmem:s3] =	stream.indirect.scatter.add.f32 [tilespmem:s24], [sflag:$0x3], $0x80, s7, s23, $0xb8;
	v63 =	vld [tilespmem:$0x0]  }
0x11c: {  	s7 =	sadd.s32 $0x14180, s9  }
0x11d: {  	[spmem:s3] =	stream.indirect.scatter.add.f32 [tilespmem:s24], [sflag:$0x3], $0x80, s7, s23, $0xb8;
	v63 =	vld [tilespmem:$0x0]  }
0x11e: {  	s7 =	sadd.s32 $0x14200, s9  }
0x11f: {  	[spmem:s3] =	stream.indirect.scatter.add.f32 [tilespmem:s24], [sflag:$0x3], $0x80, s7, s23, $0xb8;
	v63 =	vld [tilespmem:$0x0]  }
0x120: {  	s7 =	sadd.s32 $0x14280, s9  }
0x121: {  	[spmem:s3] =	stream.indirect.scatter.add.f32 [tilespmem:s24], [sflag:$0x3], $0x80, s7, s23, $0xb8;
	v63 =	vld [tilespmem:$0x0]  }
0x122: {  	s7 =	sadd.s32 $0x14300, s9  }
0x123: {  	[spmem:s3] =	stream.indirect.scatter.add.f32 [tilespmem:s24], [sflag:$0x3], $0x80, s7, s23, $0xb8;
	v63 =	vld [tilespmem:$0x0]  }
0x124: {  	s7 =	sadd.s32 $0x14380, s9  }
0x125: {  	[spmem:s3] =	stream.indirect.scatter.add.f32 [tilespmem:s24], [sflag:$0x3], $0x80, s7, s23, $0xb8;
	v63 =	vld [tilespmem:$0x0]  }
0x126: {  	_ =	swait.ge [sflag:s5], $0x4000  }
0x127: {  	[sflag:s5] =	ssyncset.done $0x0  }
0x128: {  	[sflag:s5] =	ssyncadd.s32 $0xFFFFC000  }
0x129: {  	_ =	swait.ge [sflag:s5], $0x4000  }
0x12a: {  	[sflag:s5] =	ssyncset.done $0x0  }
0x12b: {  	[sflag:s5] =	ssyncadd.s32 $0xFFFFC000  }
0x12c: {  	_ =	swait.ge [sflag:s5], $0x4000  }
0x12d: {  	[sflag:s5] =	ssyncset.done $0x0  }
0x12e: {  	[sflag:s5] =	ssyncadd.s32 $0xFFFFC000  }
0x12f: {  	_ =	swait.ge [sflag:s5], $0x4000  }
0x130: {  	[sflag:s5] =	ssyncset.done $0x0  }
0x131: {  	[sflag:s5] =	ssyncadd.s32 $0xFFFFC000  }
0x132: {  	_ =	swait.ge [sflag:s5], $0x4000  }
0x133: {  	[sflag:s5] =	ssyncset.done $0x0  }
0x134: {  	[sflag:s5] =	ssyncadd.s32 $0xFFFFC000  }
0x135: {  	_ =	swait.ge [sflag:s5], $0x4000  }
0x136: {  	[sflag:s5] =	ssyncset.done $0x0  }
0x137: {  	[sflag:s5] =	ssyncadd.s32 $0xFFFFC000  }
.Ltmp4:
0x138: {  	_ =	swait.ge [sflag:s5], $0x4000;
	(pc) =	sbr.rel @p0 .LBB2_10-.Ltmp4, $4  }
0x139: {  	[sflag:s5] =	ssyncset.done $0x0  }
0x13a: {  	[sflag:s5] =	ssyncadd.s32 $0xFFFFC000  }
0x13b: {  	_ =	swait.ge [sflag:s5], $0x4000  }
0x13c: {  	s9 =	sshra.s32 s8, $0x2;
	s7 =	smov.u32 s10;
	[sflag:s5] =	ssyncset.done $0x0  }
0x13d: {  	s7 =	sadd.s32 $0x14000, s9;
	[sflag:s5] =	ssyncadd.s32 $0xFFFFC000  }
0x13e: {  	[spmem:s3] =	stream.indirect.scatter.add.f32 [tilespmem:s24], [sflag:$0x3], $0x80, s7, s23, $0xb8;
	v63 =	vld [tilespmem:$0x0]  }
0x13f: {  	s10 =	sadd.s32 $0x14080, s9  }
0x140: {  	[spmem:s3] =	stream.indirect.scatter.add.f32 [tilespmem:s24], [sflag:$0x3], $0x80, s10, s23, $0xb8;
	v63 =	vld [tilespmem:$0x0]  }
0x141: {  	s11 =	sadd.s32 $0x14100, s9  }
0x142: {  	[spmem:s3] =	stream.indirect.scatter.add.f32 [tilespmem:s24], [sflag:$0x3], $0x80, s11, s23, $0xb8;
	v63 =	vld [tilespmem:$0x0]  }
0x143: {  	s8 =	sadd.s32 $0x14180, s9  }
0x144: {  	[spmem:s3] =	stream.indirect.scatter.add.f32 [tilespmem:s24], [sflag:$0x3], $0x80, s8, s23, $0xb8;
	v63 =	vld [tilespmem:$0x0]  }
0x145: {  	s10 =	sadd.s32 $0x14200, s9  }
0x146: {  	[spmem:s3] =	stream.indirect.scatter.add.f32 [tilespmem:s24], [sflag:$0x3], $0x80, s10, s23, $0xb8;
	v63 =	vld [tilespmem:$0x0]  }
0x147: {  	s11 =	sadd.s32 $0x14280, s9  }
0x148: {  	[spmem:s3] =	stream.indirect.scatter.add.f32 [tilespmem:s24], [sflag:$0x3], $0x80, s11, s23, $0xb8;
	v63 =	vld [tilespmem:$0x0]  }
0x149: {  	s8 =	sadd.s32 $0x14300, s9  }
0x14a: {  	[spmem:s3] =	stream.indirect.scatter.add.f32 [tilespmem:s24], [sflag:$0x3], $0x80, s8, s23, $0xb8;
	v63 =	vld [tilespmem:$0x0]  }
0x14b: {  	s10 =	sadd.s32 $0x14380, s9  }
0x14c: {  	[spmem:s3] =	stream.indirect.scatter.add.f32 [tilespmem:s24], [sflag:$0x3], $0x80, s10, s23, $0xb8;
	v63 =	vld [tilespmem:$0x0]  }
0x14d: {  	_ =	swait.ge [sflag:s5], $0x4000  }
0x14e: {  	[sflag:s5] =	ssyncset.done $0x0  }
0x14f: {  	[sflag:s5] =	ssyncadd.s32 $0xFFFFC000  }
0x150: {  	_ =	swait.ge [sflag:s5], $0x4000  }
0x151: {  	[sflag:s5] =	ssyncset.done $0x0  }
0x152: {  	[sflag:s5] =	ssyncadd.s32 $0xFFFFC000  }
0x153: {  	_ =	swait.ge [sflag:s5], $0x4000  }
0x154: {  	[sflag:s5] =	ssyncset.done $0x0  }
0x155: {  	[sflag:s5] =	ssyncadd.s32 $0xFFFFC000  }
0x156: {  	_ =	swait.ge [sflag:s5], $0x4000  }
0x157: {  	[sflag:s5] =	ssyncset.done $0x0  }
0x158: {  	[sflag:s5] =	ssyncadd.s32 $0xFFFFC000  }
0x159: {  	_ =	swait.ge [sflag:s5], $0x4000  }
0x15a: {  	[sflag:s5] =	ssyncset.done $0x0  }
0x15b: {  	[sflag:s5] =	ssyncadd.s32 $0xFFFFC000  }
0x15c: {  	_ =	swait.ge [sflag:s5], $0x4000  }
0x15d: {  	[sflag:s5] =	ssyncset.done $0x0  }
0x15e: {  	[sflag:s5] =	ssyncadd.s32 $0xFFFFC000  }
0x15f: {  	_ =	swait.ge [sflag:s5], $0x4000  }
0x160: {  	[sflag:s5] =	ssyncset.done $0x0  }
0x161: {  	[sflag:s5] =	ssyncadd.s32 $0xFFFFC000  }
0x162: {  	_ =	swait.ge [sflag:s5], $0x4000  }
0x163: {  	[sflag:s5] =	ssyncset.done $0x0  }
0x164: {  	[sflag:s5] =	ssyncadd.s32 $0xFFFFC000  }
0x165: {  	[bflag:$0x0] =	sbarrier.arrive $0xFFFF  }
0x166: {  	[tilespmem:s24], [sflag:$0x1] =	stream.indirect.gather [spmem:s3], $0x80, s20, s23, $0xb8;
	v63 =	vld [tilespmem:$0x0]  }
0x167: {  	_ =	swait.ge [sflag:s2], $0x4000  }
0x168: {  	[sflag:s2] =	ssyncset.done $0x0  }
0x169: {  	[sflag:s2] =	ssyncadd.s32 $0xFFFFC000  }
0x16a: {  	[hbm4b:s15+s4] =	stream.linear.scatter [tilespmem:s24], [sflag:$0x4], $0x4000, $0x38;
	v63 =	vld [tilespmem:$0x0]  }
0x16b: {  	_ =	swait.ge [sflag:s21], $0x4000  }
0x16c: {  	[sflag:s21] =	ssyncset.done $0x0  }
0x16d: {  	[sflag:s21] =	ssyncadd.s32 $0xFFFFC000  }
0x16e: {  	[tilespmem:s24], [sflag:$0x1] =	stream.indirect.gather [spmem:s3], $0x80, s25, s23, $0xb8;
	v63 =	vld [tilespmem:$0x0]  }
0x16f: {  	_ =	swait.ge [sflag:s2], $0x4000  }
0x170: {  	[sflag:s2] =	ssyncset.done $0x0  }
0x171: {  	[sflag:s2] =	ssyncadd.s32 $0xFFFFC000  }
0x172: {  	[hbm4b:s16+s4] =	stream.linear.scatter [tilespmem:s24], [sflag:$0x4], $0x4000, $0x38;
	v63 =	vld [tilespmem:$0x0]  }
0x173: {  	_ =	swait.ge [sflag:s21], $0x4000  }
0x174: {  	[sflag:s21] =	ssyncset.done $0x0  }
0x175: {  	[sflag:s21] =	ssyncadd.s32 $0xFFFFC000  }
0x176: {  	[tilespmem:s24], [sflag:$0x1] =	stream.indirect.gather [spmem:s3], $0x80, s26, s23, $0xb8;
	v63 =	vld [tilespmem:$0x0]  }
0x177: {  	_ =	swait.ge [sflag:s2], $0x4000  }
0x178: {  	[sflag:s2] =	ssyncset.done $0x0  }
0x179: {  	[sflag:s2] =	ssyncadd.s32 $0xFFFFC000  }
0x17a: {  	[hbm4b:s17+s4] =	stream.linear.scatter [tilespmem:s24], [sflag:$0x4], $0x4000, $0x38;
	v63 =	vld [tilespmem:$0x0]  }
0x17b: {  	_ =	swait.ge [sflag:s21], $0x4000  }
0x17c: {  	[sflag:s21] =	ssyncset.done $0x0  }
0x17d: {  	[sflag:s21] =	ssyncadd.s32 $0xFFFFC000  }
0x17e: {  	[tilespmem:s24], [sflag:$0x1] =	stream.indirect.gather [spmem:s3], $0x80, s28, s23, $0xb8;
	v63 =	vld [tilespmem:$0x0]  }
0x17f: {  	_ =	swait.ge [sflag:s2], $0x4000  }
0x180: {  	[sflag:s2] =	ssyncset.done $0x0  }
0x181: {  	[sflag:s2] =	ssyncadd.s32 $0xFFFFC000  }
0x182: {  	[hbm4b:s18+s4] =	stream.linear.scatter [tilespmem:s24], [sflag:$0x4], $0x4000, $0x38;
	v63 =	vld [tilespmem:$0x0]  }
0x183: {  	_ =	swait.ge [sflag:s21], $0x4000  }
0x184: {  	[sflag:s21] =	ssyncset.done $0x0  }
0x185: {  	[sflag:s21] =	ssyncadd.s32 $0xFFFFC000  }
0x186: {  	[tilespmem:s24], [sflag:$0x1] =	stream.indirect.gather [spmem:s3], $0x80, s29, s23, $0xb8;
	v63 =	vld [tilespmem:$0x0]  }
0x187: {  	_ =	swait.ge [sflag:s2], $0x4000  }
0x188: {  	[sflag:s2] =	ssyncset.done $0x0  }
0x189: {  	[sflag:s2] =	ssyncadd.s32 $0xFFFFC000  }
0x18a: {  	[hbm4b:s19+s4] =	stream.linear.scatter [tilespmem:s24], [sflag:$0x4], $0x4000, $0x38;
	v63 =	vld [tilespmem:$0x0]  }
0x18b: {  	_ =	swait.ge [sflag:s21], $0x4000  }
0x18c: {  	s6 =	sadd.s32 $0x1, s6;
	s11 =	rddreg [dreg:$0x9]  }
0x18d: {  	p0 =	sne.s32 s6, s11  }
.Ltmp5:
0x18e: {  	_ = 	snop;
	(pc) =	sbr.rel @p0 .LBB2_1-.Ltmp5, $3  }
0x18f: {  	_ =	sdelay $0x1  }
0x190: {  	[sflag:s21] =	ssyncset.done $0x0  }
0x191: {  	[sflag:s21] =	ssyncadd.s32 $0xFFFFC000  }
0x192: {  	_ =	sfence.sel $0x180000  }
0x193: {  	[bflag:$0x0] =	sbarrier.arrive $0xFFFF  }
0x194: {  	_ =	strace $0x90000047  }
0x195: {  	s0 =	stileid.u32;
	[bflag:$0x2] =	sbarrier.arrive $0xFFFF  }
0x196: {  	p0 =	sne.s32 s0, $0x0;
	s0 =	rddreg [dreg:$0x4]  }
0x197: {  	s0 =	sadd.s32 @!p0 $0x100000, s0  }
0x198: {  	[sflag:s0] =	ssyncadd.tile.s32 @!p0 $0x1;
	_ =	shalt  }
.Lfunc_end2:
_tile_overlayer_lowered:
.L_overlay_start_2:
0x199: {  	(tag) =	ssettag $0x2  }
0x19a: {  	s0 =	rddreg [dreg:$0x0];
	s2 =	stileid.u32  }
0x19b: {  	s1 =	rddreg [dreg:$0x1];
	p0 =	sne.s32 s2, $0x0  }
0x19c: {  	s3 =	rddreg [dreg:$0x2];
	[bflag:$0x3] =	sbarrier.arrive $0xFFFF;
	s2 =	simm.s32 @!p0 $0x1C04  }
0x19d: {  	[timem:s3], [sflag:s2] =	dma.local @!p0 [hbm:s0], s1  }
0x19e: {  	s0 =	simm.s32 @!p0 $0x4  }
0x19f: {  	_ =	swait.ge @!p0 [sflag:s0], s1  }
0x1a0: {  	s1 =	ssub.s32 @!p0 $0x0, s1;
	[sflag:s0] =	ssyncset.done @!p0 $0x0  }
0x1a1: {  	[sflag:s0] =	ssyncadd.s32 @!p0 s1  }
0x1a2: {  	[bflag:$0x3] =	sbarrier.arrive $0xFFFF  }
0x1a3: {  	_ =	shalt  }

</sc_bundles>
